<compile_context>
chip_gen: v7x
topology: tpu7x:2x2x1
jax: 0.10.2.dev20260603
libtpu: 0.0.44.dev20260713+nightly
codegen_flags: <defaults>
</compile_context>

<pallas_src>
import functools

import jax
import jax.numpy as jnp
from jax import lax
from jax.experimental import pallas as pl
from jax.experimental.pallas import tpu as pltpu
from jax.experimental.pallas import tpu_sc as plsc

B = 16384
D = 128
V = 10
NC = 2
NS = 16
NW = NC * NS
B_PER_W = B // NW
NCHUNK = 8
CH = B_PER_W // NCHUNK


@jax.jit
def kernel(indices, table):
    mesh = plsc.VectorSubcoreMesh(core_axis_name="c", subcore_axis_name="s")

    @functools.partial(
        pl.kernel,
        mesh=mesh,
        out_type=jax.ShapeDtypeStruct((B, D), jnp.float32),
        scratch_types=[
            pltpu.VMEM((B_PER_W,), jnp.int32),
            pltpu.VMEM_SHARED((V, D), jnp.float32),
            pltpu.VMEM((B_PER_W, D), jnp.float32),
            pltpu.SemaphoreType.DMA,
            pltpu.SemaphoreType.DMA,
        ],
    )
    def lookup_kernel(table_hbm, idx_hbm, out_hbm, idx_v, tbl_sh, rows_v,
                      gsem, wsem):
        sid = lax.axis_index("s")
        wid = sid * NC + lax.axis_index("c")
        base = wid * B_PER_W

        idx_cps = [
            pltpu.async_copy(
                idx_hbm.at[pl.ds(base + k * CH, CH)],
                idx_v.at[pl.ds(k * CH, CH)],
                wsem,
            )
            for k in range(NCHUNK)
        ]

        @pl.when(sid == 0)
        def _():
            pltpu.sync_copy(table_hbm, tbl_sh)

        plsc.subcore_barrier()

        gathers = []
        for k in range(NCHUNK):
            idx_cps[k].wait()
            gathers.append(
                pltpu.async_copy(
                    tbl_sh.at[idx_v.at[pl.ds(k * CH, CH)]],
                    rows_v.at[pl.ds(k * CH, CH)],
                    gsem,
                )
            )
        writes = []
        for k in range(NCHUNK):
            gathers[k].wait()
            writes.append(
                pltpu.async_copy(
                    rows_v.at[pl.ds(k * CH, CH)],
                    out_hbm.at[pl.ds(base + k * CH, CH)],
                    wsem,
                )
            )
        for w in writes:
            w.wait()

    return lookup_kernel(table, indices.astype(jnp.int32))

# --- scband reference (transcript-rebuilt; emitter-appended) ---
"""Pipeline reference for scband-malware-type-encoder-39058432590502 (READ-ONLY COPY).

The authoritative reference and input builder live on the scoring server;
editing this copy changes nothing except your own understanding.
"""

import jax, jax.numpy as jnp
import numpy as np


def setup_inputs(seed: int = 0) -> dict:
    key = jax.random.key(seed)
    k1, k2 = jax.random.split(key)
    indices = jax.random.randint(k1, (16384,), 0, 10, dtype=jnp.int64 if jax.config.jax_enable_x64 else jnp.int32)
    table = jax.random.normal(k2, (10, 128), dtype=jnp.float32)
    return {"indices": indices, "table": table}


def reference(indices, table):
    # Faithful translation of MalwareTypeEncoder.forward: the string->index
    # mapping is precomputed into `indices`; the core op is an embedding gather.
    return jnp.take(table, indices, axis=0)

if __name__ == "__main__":
    import jax
    _d = setup_inputs()
    print(jax.jit(kernel)(*tuple(_d.values())))

</pallas_src>

<mosaic_0001>
#map = affine_map<(d0, d1) -> (0, 0)>
#map1 = affine_map<(d0, d1) -> (0)>
module attributes {stable_mosaic.version = 14 : i64} {
  func.func @lookup_kernel(%arg0: i32, %arg1: i32, %arg2: memref<10x128xf32, #tpu.memory_space<hbm>>, %arg3: memref<16384xi32, #tpu.memory_space<hbm>>, %arg4: memref<16384x128xf32, #tpu.memory_space<hbm>>, %arg5: memref<512xi32, #tpu.memory_space<vmem>>, %arg6: memref<10x128xf32, #tpu.memory_space<vmem_shared>>, %arg7: memref<512x128xf32, #tpu.memory_space<vmem>>, %arg8: memref<!tpu.dma_semaphore, #tpu.memory_space<semaphore_mem>>, %arg9: memref<!tpu.dma_semaphore, #tpu.memory_space<semaphore_mem>>) attributes {dimension_semantics = [#tpu.dimension_semantics<core_parallel>, #tpu.dimension_semantics<subcore_parallel>], iteration_bounds = array<i64: 2, 16>, scalar_prefetch = 0 : i64, scratch_operands = 5 : i64, tpu.core_type = #tpu.core_type<sc_vector_subcore>, window_params = [{transform_indices = #map}, {transform_indices = #map1}, {transform_indices = #map}]} {
    %mul3A = arith.constant 2 : i32
    %mul3A_0 = arith.muli %arg1, %mul3A : i32
    %add3A = arith.addi %mul3A_0, %arg0 : i32
    %mul3A_1 = arith.constant 512 : i32
    %mul3A_2 = arith.muli %add3A, %mul3A_1 : i32
    %add3A_3 = arith.constant 0 : i32
    %add3A_4 = arith.addi %mul3A_2, %add3A_3 : i32
    %dma_start3A = arith.constant 0 : i32
    %dma_start3A_5 = tpu.memref_slice %arg5[%dma_start3A] : memref<512xi32, #tpu.memory_space<vmem>> -> memref<64xi32, #tpu.memory_space<vmem>>
    %dma_start3A_6 = tpu.memref_slice %arg3[%add3A_4] : memref<16384xi32, #tpu.memory_space<hbm>> -> memref<64xi32, #tpu.memory_space<hbm>>
    %dma_start3A_7 = arith.constant 0 : i32
    %dma_start3A_8 = tpu.memref_slice %arg5[%dma_start3A_7] : memref<512xi32, #tpu.memory_space<vmem>> -> memref<64xi32, #tpu.memory_space<vmem>>
    %dma_start3A_9 = tpu.memref_slice %arg3[%add3A_4] : memref<16384xi32, #tpu.memory_space<hbm>> -> memref<64xi32, #tpu.memory_space<hbm>>
    tpu.enqueue_dma source(%dma_start3A_9 : memref<64xi32, #tpu.memory_space<hbm>>) target(%dma_start3A_8 : memref<64xi32, #tpu.memory_space<vmem>>) target_semaphore(%arg9 : memref<!tpu.dma_semaphore, #tpu.memory_space<semaphore_mem>>)
    %add3A_10 = arith.constant 64 : i32
    %add3A_11 = arith.addi %mul3A_2, %add3A_10 : i32
    %dma_start3A_12 = arith.constant 64 : i32
    %dma_start3A_13 = tpu.memref_slice %arg5[%dma_start3A_12] : memref<512xi32, #tpu.memory_space<vmem>> -> memref<64xi32, #tpu.memory_space<vmem>>
    %dma_start3A_14 = tpu.memref_slice %arg3[%add3A_11] : memref<16384xi32, #tpu.memory_space<hbm>> -> memref<64xi32, #tpu.memory_space<hbm>>
    %dma_start3A_15 = arith.constant 64 : i32
    %dma_start3A_16 = tpu.memref_slice %arg5[%dma_start3A_15] : memref<512xi32, #tpu.memory_space<vmem>> -> memref<64xi32, #tpu.memory_space<vmem>>
    %dma_start3A_17 = tpu.memref_slice %arg3[%add3A_11] : memref<16384xi32, #tpu.memory_space<hbm>> -> memref<64xi32, #tpu.memory_space<hbm>>
    tpu.enqueue_dma source(%dma_start3A_17 : memref<64xi32, #tpu.memory_space<hbm>>) target(%dma_start3A_16 : memref<64xi32, #tpu.memory_space<vmem>>) target_semaphore(%arg9 : memref<!tpu.dma_semaphore, #tpu.memory_space<semaphore_mem>>)
    %add3A_18 = arith.constant 128 : i32
    %add3A_19 = arith.addi %mul3A_2, %add3A_18 : i32
    %dma_start3A_20 = arith.constant 128 : i32
    %dma_start3A_21 = tpu.memref_slice %arg5[%dma_start3A_20] : memref<512xi32, #tpu.memory_space<vmem>> -> memref<64xi32, #tpu.memory_space<vmem>>
    %dma_start3A_22 = tpu.memref_slice %arg3[%add3A_19] : memref<16384xi32, #tpu.memory_space<hbm>> -> memref<64xi32, #tpu.memory_space<hbm>>
    %dma_start3A_23 = arith.constant 128 : i32
    %dma_start3A_24 = tpu.memref_slice %arg5[%dma_start3A_23] : memref<512xi32, #tpu.memory_space<vmem>> -> memref<64xi32, #tpu.memory_space<vmem>>
    %dma_start3A_25 = tpu.memref_slice %arg3[%add3A_19] : memref<16384xi32, #tpu.memory_space<hbm>> -> memref<64xi32, #tpu.memory_space<hbm>>
    tpu.enqueue_dma source(%dma_start3A_25 : memref<64xi32, #tpu.memory_space<hbm>>) target(%dma_start3A_24 : memref<64xi32, #tpu.memory_space<vmem>>) target_semaphore(%arg9 : memref<!tpu.dma_semaphore, #tpu.memory_space<semaphore_mem>>)
    %add3A_26 = arith.constant 192 : i32
    %add3A_27 = arith.addi %mul3A_2, %add3A_26 : i32
    %dma_start3A_28 = arith.constant 192 : i32
    %dma_start3A_29 = tpu.memref_slice %arg5[%dma_start3A_28] : memref<512xi32, #tpu.memory_space<vmem>> -> memref<64xi32, #tpu.memory_space<vmem>>
    %dma_start3A_30 = tpu.memref_slice %arg3[%add3A_27] : memref<16384xi32, #tpu.memory_space<hbm>> -> memref<64xi32, #tpu.memory_space<hbm>>
    %dma_start3A_31 = arith.constant 192 : i32
    %dma_start3A_32 = tpu.memref_slice %arg5[%dma_start3A_31] : memref<512xi32, #tpu.memory_space<vmem>> -> memref<64xi32, #tpu.memory_space<vmem>>
    %dma_start3A_33 = tpu.memref_slice %arg3[%add3A_27] : memref<16384xi32, #tpu.memory_space<hbm>> -> memref<64xi32, #tpu.memory_space<hbm>>
    tpu.enqueue_dma source(%dma_start3A_33 : memref<64xi32, #tpu.memory_space<hbm>>) target(%dma_start3A_32 : memref<64xi32, #tpu.memory_space<vmem>>) target_semaphore(%arg9 : memref<!tpu.dma_semaphore, #tpu.memory_space<semaphore_mem>>)
    %add3A_34 = arith.constant 256 : i32
    %add3A_35 = arith.addi %mul3A_2, %add3A_34 : i32
    %dma_start3A_36 = arith.constant 256 : i32
    %dma_start3A_37 = tpu.memref_slice %arg5[%dma_start3A_36] : memref<512xi32, #tpu.memory_space<vmem>> -> memref<64xi32, #tpu.memory_space<vmem>>
    %dma_start3A_38 = tpu.memref_slice %arg3[%add3A_35] : memref<16384xi32, #tpu.memory_space<hbm>> -> memref<64xi32, #tpu.memory_space<hbm>>
    %dma_start3A_39 = arith.constant 256 : i32
    %dma_start3A_40 = tpu.memref_slice %arg5[%dma_start3A_39] : memref<512xi32, #tpu.memory_space<vmem>> -> memref<64xi32, #tpu.memory_space<vmem>>
    %dma_start3A_41 = tpu.memref_slice %arg3[%add3A_35] : memref<16384xi32, #tpu.memory_space<hbm>> -> memref<64xi32, #tpu.memory_space<hbm>>
    tpu.enqueue_dma source(%dma_start3A_41 : memref<64xi32, #tpu.memory_space<hbm>>) target(%dma_start3A_40 : memref<64xi32, #tpu.memory_space<vmem>>) target_semaphore(%arg9 : memref<!tpu.dma_semaphore, #tpu.memory_space<semaphore_mem>>)
    %add3A_42 = arith.constant 320 : i32
    %add3A_43 = arith.addi %mul3A_2, %add3A_42 : i32
    %dma_start3A_44 = arith.constant 320 : i32
    %dma_start3A_45 = tpu.memref_slice %arg5[%dma_start3A_44] : memref<512xi32, #tpu.memory_space<vmem>> -> memref<64xi32, #tpu.memory_space<vmem>>
    %dma_start3A_46 = tpu.memref_slice %arg3[%add3A_43] : memref<16384xi32, #tpu.memory_space<hbm>> -> memref<64xi32, #tpu.memory_space<hbm>>
    %dma_start3A_47 = arith.constant 320 : i32
    %dma_start3A_48 = tpu.memref_slice %arg5[%dma_start3A_47] : memref<512xi32, #tpu.memory_space<vmem>> -> memref<64xi32, #tpu.memory_space<vmem>>
    %dma_start3A_49 = tpu.memref_slice %arg3[%add3A_43] : memref<16384xi32, #tpu.memory_space<hbm>> -> memref<64xi32, #tpu.memory_space<hbm>>
    tpu.enqueue_dma source(%dma_start3A_49 : memref<64xi32, #tpu.memory_space<hbm>>) target(%dma_start3A_48 : memref<64xi32, #tpu.memory_space<vmem>>) target_semaphore(%arg9 : memref<!tpu.dma_semaphore, #tpu.memory_space<semaphore_mem>>)
    %add3A_50 = arith.constant 384 : i32
    %add3A_51 = arith.addi %mul3A_2, %add3A_50 : i32
    %dma_start3A_52 = arith.constant 384 : i32
    %dma_start3A_53 = tpu.memref_slice %arg5[%dma_start3A_52] : memref<512xi32, #tpu.memory_space<vmem>> -> memref<64xi32, #tpu.memory_space<vmem>>
    %dma_start3A_54 = tpu.memref_slice %arg3[%add3A_51] : memref<16384xi32, #tpu.memory_space<hbm>> -> memref<64xi32, #tpu.memory_space<hbm>>
    %dma_start3A_55 = arith.constant 384 : i32
    %dma_start3A_56 = tpu.memref_slice %arg5[%dma_start3A_55] : memref<512xi32, #tpu.memory_space<vmem>> -> memref<64xi32, #tpu.memory_space<vmem>>
    %dma_start3A_57 = tpu.memref_slice %arg3[%add3A_51] : memref<16384xi32, #tpu.memory_space<hbm>> -> memref<64xi32, #tpu.memory_space<hbm>>
    tpu.enqueue_dma source(%dma_start3A_57 : memref<64xi32, #tpu.memory_space<hbm>>) target(%dma_start3A_56 : memref<64xi32, #tpu.memory_space<vmem>>) target_semaphore(%arg9 : memref<!tpu.dma_semaphore, #tpu.memory_space<semaphore_mem>>)
    %add3A_58 = arith.constant 448 : i32
    %add3A_59 = arith.addi %mul3A_2, %add3A_58 : i32
    %dma_start3A_60 = arith.constant 448 : i32
    %dma_start3A_61 = tpu.memref_slice %arg5[%dma_start3A_60] : memref<512xi32, #tpu.memory_space<vmem>> -> memref<64xi32, #tpu.memory_space<vmem>>
    %dma_start3A_62 = tpu.memref_slice %arg3[%add3A_59] : memref<16384xi32, #tpu.memory_space<hbm>> -> memref<64xi32, #tpu.memory_space<hbm>>
    %dma_start3A_63 = arith.constant 448 : i32
    %dma_start3A_64 = tpu.memref_slice %arg5[%dma_start3A_63] : memref<512xi32, #tpu.memory_space<vmem>> -> memref<64xi32, #tpu.memory_space<vmem>>
    %dma_start3A_65 = tpu.memref_slice %arg3[%add3A_59] : memref<16384xi32, #tpu.memory_space<hbm>> -> memref<64xi32, #tpu.memory_space<hbm>>
    tpu.enqueue_dma source(%dma_start3A_65 : memref<64xi32, #tpu.memory_space<hbm>>) target(%dma_start3A_64 : memref<64xi32, #tpu.memory_space<vmem>>) target_semaphore(%arg9 : memref<!tpu.dma_semaphore, #tpu.memory_space<semaphore_mem>>)
    %eq3A = arith.constant 0 : i32
    %eq3A_66 = arith.cmpi eq, %arg1, %eq3A : i32
    %convert_element_type3A = arith.extui %eq3A_66 : i1 to i32
    %cond3A = arith.constant 0 : i32
    %cond3A_67 = arith.cmpi ne, %convert_element_type3A, %cond3A : i32
    scf.if %cond3A_67 {
      "tpu.region"() ({
        %run_scoped3A = tpu.sem_alloc : memref<!tpu.dma_semaphore, #tpu.memory_space<semaphore_mem>>
        tpu.enqueue_dma source(%arg2 : memref<10x128xf32, #tpu.memory_space<hbm>>) target(%arg6 : memref<10x128xf32, #tpu.memory_space<vmem_shared>>) target_semaphore(%run_scoped3A : memref<!tpu.dma_semaphore, #tpu.memory_space<semaphore_mem>>)
        tpu.wait_dma2 semaphore(%run_scoped3A : memref<!tpu.dma_semaphore, #tpu.memory_space<semaphore_mem>>) src(%arg2 : memref<10x128xf32, #tpu.memory_space<hbm>>) dst(%arg6 : memref<10x128xf32, #tpu.memory_space<vmem_shared>>)
        tpu.yield
      }) : () -> ()
    } else {
    }
    %barrier3A = arith.constant 0 : index
    tpu.barrier barrier_id(%barrier3A)
    %dma_wait3A = arith.constant 0 : i32
    %dma_wait3A_68 = tpu.memref_slice %arg5[%dma_wait3A] : memref<512xi32, #tpu.memory_space<vmem>> -> memref<64xi32, #tpu.memory_space<vmem>>
    %dma_wait3A_69 = tpu.memref_slice %arg3[%add3A_4] : memref<16384xi32, #tpu.memory_space<hbm>> -> memref<64xi32, #tpu.memory_space<hbm>>
    %dma_wait3A_70 = arith.constant 0 : i32
    %dma_wait3A_71 = tpu.memref_slice %arg5[%dma_wait3A_70] : memref<512xi32, #tpu.memory_space<vmem>> -> memref<64xi32, #tpu.memory_space<vmem>>
    %dma_wait3A_72 = tpu.memref_slice %arg3[%add3A_4] : memref<16384xi32, #tpu.memory_space<hbm>> -> memref<64xi32, #tpu.memory_space<hbm>>
    tpu.wait_dma2 semaphore(%arg9 : memref<!tpu.dma_semaphore, #tpu.memory_space<semaphore_mem>>) src(%dma_wait3A_72 : memref<64xi32, #tpu.memory_space<hbm>>) dst(%dma_wait3A_71 : memref<64xi32, #tpu.memory_space<vmem>>)
    %dma_start3A_73 = arith.constant 0 : i32
    %dma_start3A_74 = arith.constant 0 : i32
    %dma_start3A_75 = tpu.memref_slice %arg7[%dma_start3A_73, %dma_start3A_74] : memref<512x128xf32, #tpu.memory_space<vmem>> -> memref<64x128xf32, #tpu.memory_space<vmem>>
    %dma_start3A_76 = arith.constant 0 : i32
    %dma_start3A_77 = tpu.memref_slice %arg5[%dma_start3A_76] : memref<512xi32, #tpu.memory_space<vmem>> -> memref<64xi32, #tpu.memory_space<vmem>>
    %dma_start3A_78 = arith.constant 0 : i32
    %dma_start3A_79 = arith.constant 0 : i32
    %dma_start3A_80 = tpu.memref_slice %arg6[%dma_start3A_78, %dma_start3A_79] : memref<10x128xf32, #tpu.memory_space<vmem_shared>> -> memref<10x128xf32, #tpu.memory_space<vmem_shared>>
    tpu.enqueue_indirect_dma source(%dma_start3A_80 : memref<10x128xf32, #tpu.memory_space<vmem_shared>>) target(%dma_start3A_75 : memref<64x128xf32, #tpu.memory_space<vmem>>) offsets(%dma_start3A_77 : memref<64xi32, #tpu.memory_space<vmem>>) semaphore(%arg8 : memref<!tpu.dma_semaphore, #tpu.memory_space<semaphore_mem>>)
    %dma_wait3A_81 = arith.constant 64 : i32
    %dma_wait3A_82 = tpu.memref_slice %arg5[%dma_wait3A_81] : memref<512xi32, #tpu.memory_space<vmem>> -> memref<64xi32, #tpu.memory_space<vmem>>
    %dma_wait3A_83 = tpu.memref_slice %arg3[%add3A_11] : memref<16384xi32, #tpu.memory_space<hbm>> -> memref<64xi32, #tpu.memory_space<hbm>>
    %dma_wait3A_84 = arith.constant 64 : i32
    %dma_wait3A_85 = tpu.memref_slice %arg5[%dma_wait3A_84] : memref<512xi32, #tpu.memory_space<vmem>> -> memref<64xi32, #tpu.memory_space<vmem>>
    %dma_wait3A_86 = tpu.memref_slice %arg3[%add3A_11] : memref<16384xi32, #tpu.memory_space<hbm>> -> memref<64xi32, #tpu.memory_space<hbm>>
    tpu.wait_dma2 semaphore(%arg9 : memref<!tpu.dma_semaphore, #tpu.memory_space<semaphore_mem>>) src(%dma_wait3A_86 : memref<64xi32, #tpu.memory_space<hbm>>) dst(%dma_wait3A_85 : memref<64xi32, #tpu.memory_space<vmem>>)
    %dma_start3A_87 = arith.constant 64 : i32
    %dma_start3A_88 = arith.constant 0 : i32
    %dma_start3A_89 = tpu.memref_slice %arg7[%dma_start3A_87, %dma_start3A_88] : memref<512x128xf32, #tpu.memory_space<vmem>> -> memref<64x128xf32, #tpu.memory_space<vmem>>
    %dma_start3A_90 = arith.constant 64 : i32
    %dma_start3A_91 = tpu.memref_slice %arg5[%dma_start3A_90] : memref<512xi32, #tpu.memory_space<vmem>> -> memref<64xi32, #tpu.memory_space<vmem>>
    %dma_start3A_92 = arith.constant 0 : i32
    %dma_start3A_93 = arith.constant 0 : i32
    %dma_start3A_94 = tpu.memref_slice %arg6[%dma_start3A_92, %dma_start3A_93] : memref<10x128xf32, #tpu.memory_space<vmem_shared>> -> memref<10x128xf32, #tpu.memory_space<vmem_shared>>
    tpu.enqueue_indirect_dma source(%dma_start3A_94 : memref<10x128xf32, #tpu.memory_space<vmem_shared>>) target(%dma_start3A_89 : memref<64x128xf32, #tpu.memory_space<vmem>>) offsets(%dma_start3A_91 : memref<64xi32, #tpu.memory_space<vmem>>) semaphore(%arg8 : memref<!tpu.dma_semaphore, #tpu.memory_space<semaphore_mem>>)
    %dma_wait3A_95 = arith.constant 128 : i32
    %dma_wait3A_96 = tpu.memref_slice %arg5[%dma_wait3A_95] : memref<512xi32, #tpu.memory_space<vmem>> -> memref<64xi32, #tpu.memory_space<vmem>>
    %dma_wait3A_97 = tpu.memref_slice %arg3[%add3A_19] : memref<16384xi32, #tpu.memory_space<hbm>> -> memref<64xi32, #tpu.memory_space<hbm>>
    %dma_wait3A_98 = arith.constant 128 : i32
    %dma_wait3A_99 = tpu.memref_slice %arg5[%dma_wait3A_98] : memref<512xi32, #tpu.memory_space<vmem>> -> memref<64xi32, #tpu.memory_space<vmem>>
    %dma_wait3A_100 = tpu.memref_slice %arg3[%add3A_19] : memref<16384xi32, #tpu.memory_space<hbm>> -> memref<64xi32, #tpu.memory_space<hbm>>
    tpu.wait_dma2 semaphore(%arg9 : memref<!tpu.dma_semaphore, #tpu.memory_space<semaphore_mem>>) src(%dma_wait3A_100 : memref<64xi32, #tpu.memory_space<hbm>>) dst(%dma_wait3A_99 : memref<64xi32, #tpu.memory_space<vmem>>)
    %dma_start3A_101 = arith.constant 128 : i32
    %dma_start3A_102 = arith.constant 0 : i32
    %dma_start3A_103 = tpu.memref_slice %arg7[%dma_start3A_101, %dma_start3A_102] : memref<512x128xf32, #tpu.memory_space<vmem>> -> memref<64x128xf32, #tpu.memory_space<vmem>>
    %dma_start3A_104 = arith.constant 128 : i32
    %dma_start3A_105 = tpu.memref_slice %arg5[%dma_start3A_104] : memref<512xi32, #tpu.memory_space<vmem>> -> memref<64xi32, #tpu.memory_space<vmem>>
    %dma_start3A_106 = arith.constant 0 : i32
    %dma_start3A_107 = arith.constant 0 : i32
    %dma_start3A_108 = tpu.memref_slice %arg6[%dma_start3A_106, %dma_start3A_107] : memref<10x128xf32, #tpu.memory_space<vmem_shared>> -> memref<10x128xf32, #tpu.memory_space<vmem_shared>>
    tpu.enqueue_indirect_dma source(%dma_start3A_108 : memref<10x128xf32, #tpu.memory_space<vmem_shared>>) target(%dma_start3A_103 : memref<64x128xf32, #tpu.memory_space<vmem>>) offsets(%dma_start3A_105 : memref<64xi32, #tpu.memory_space<vmem>>) semaphore(%arg8 : memref<!tpu.dma_semaphore, #tpu.memory_space<semaphore_mem>>)
    %dma_wait3A_109 = arith.constant 192 : i32
    %dma_wait3A_110 = tpu.memref_slice %arg5[%dma_wait3A_109] : memref<512xi32, #tpu.memory_space<vmem>> -> memref<64xi32, #tpu.memory_space<vmem>>
    %dma_wait3A_111 = tpu.memref_slice %arg3[%add3A_27] : memref<16384xi32, #tpu.memory_space<hbm>> -> memref<64xi32, #tpu.memory_space<hbm>>
    %dma_wait3A_112 = arith.constant 192 : i32
    %dma_wait3A_113 = tpu.memref_slice %arg5[%dma_wait3A_112] : memref<512xi32, #tpu.memory_space<vmem>> -> memref<64xi32, #tpu.memory_space<vmem>>
    %dma_wait3A_114 = tpu.memref_slice %arg3[%add3A_27] : memref<16384xi32, #tpu.memory_space<hbm>> -> memref<64xi32, #tpu.memory_space<hbm>>
    tpu.wait_dma2 semaphore(%arg9 : memref<!tpu.dma_semaphore, #tpu.memory_space<semaphore_mem>>) src(%dma_wait3A_114 : memref<64xi32, #tpu.memory_space<hbm>>) dst(%dma_wait3A_113 : memref<64xi32, #tpu.memory_space<vmem>>)
    %dma_start3A_115 = arith.constant 192 : i32
    %dma_start3A_116 = arith.constant 0 : i32
    %dma_start3A_117 = tpu.memref_slice %arg7[%dma_start3A_115, %dma_start3A_116] : memref<512x128xf32, #tpu.memory_space<vmem>> -> memref<64x128xf32, #tpu.memory_space<vmem>>
    %dma_start3A_118 = arith.constant 192 : i32
    %dma_start3A_119 = tpu.memref_slice %arg5[%dma_start3A_118] : memref<512xi32, #tpu.memory_space<vmem>> -> memref<64xi32, #tpu.memory_space<vmem>>
    %dma_start3A_120 = arith.constant 0 : i32
    %dma_start3A_121 = arith.constant 0 : i32
    %dma_start3A_122 = tpu.memref_slice %arg6[%dma_start3A_120, %dma_start3A_121] : memref<10x128xf32, #tpu.memory_space<vmem_shared>> -> memref<10x128xf32, #tpu.memory_space<vmem_shared>>
    tpu.enqueue_indirect_dma source(%dma_start3A_122 : memref<10x128xf32, #tpu.memory_space<vmem_shared>>) target(%dma_start3A_117 : memref<64x128xf32, #tpu.memory_space<vmem>>) offsets(%dma_start3A_119 : memref<64xi32, #tpu.memory_space<vmem>>) semaphore(%arg8 : memref<!tpu.dma_semaphore, #tpu.memory_space<semaphore_mem>>)
    %dma_wait3A_123 = arith.constant 256 : i32
    %dma_wait3A_124 = tpu.memref_slice %arg5[%dma_wait3A_123] : memref<512xi32, #tpu.memory_space<vmem>> -> memref<64xi32, #tpu.memory_space<vmem>>
    %dma_wait3A_125 = tpu.memref_slice %arg3[%add3A_35] : memref<16384xi32, #tpu.memory_space<hbm>> -> memref<64xi32, #tpu.memory_space<hbm>>
    %dma_wait3A_126 = arith.constant 256 : i32
    %dma_wait3A_127 = tpu.memref_slice %arg5[%dma_wait3A_126] : memref<512xi32, #tpu.memory_space<vmem>> -> memref<64xi32, #tpu.memory_space<vmem>>
    %dma_wait3A_128 = tpu.memref_slice %arg3[%add3A_35] : memref<16384xi32, #tpu.memory_space<hbm>> -> memref<64xi32, #tpu.memory_space<hbm>>
    tpu.wait_dma2 semaphore(%arg9 : memref<!tpu.dma_semaphore, #tpu.memory_space<semaphore_mem>>) src(%dma_wait3A_128 : memref<64xi32, #tpu.memory_space<hbm>>) dst(%dma_wait3A_127 : memref<64xi32, #tpu.memory_space<vmem>>)
    %dma_start3A_129 = arith.constant 256 : i32
    %dma_start3A_130 = arith.constant 0 : i32
    %dma_start3A_131 = tpu.memref_slice %arg7[%dma_start3A_129, %dma_start3A_130] : memref<512x128xf32, #tpu.memory_space<vmem>> -> memref<64x128xf32, #tpu.memory_space<vmem>>
    %dma_start3A_132 = arith.constant 256 : i32
    %dma_start3A_133 = tpu.memref_slice %arg5[%dma_start3A_132] : memref<512xi32, #tpu.memory_space<vmem>> -> memref<64xi32, #tpu.memory_space<vmem>>
    %dma_start3A_134 = arith.constant 0 : i32
    %dma_start3A_135 = arith.constant 0 : i32
    %dma_start3A_136 = tpu.memref_slice %arg6[%dma_start3A_134, %dma_start3A_135] : memref<10x128xf32, #tpu.memory_space<vmem_shared>> -> memref<10x128xf32, #tpu.memory_space<vmem_shared>>
    tpu.enqueue_indirect_dma source(%dma_start3A_136 : memref<10x128xf32, #tpu.memory_space<vmem_shared>>) target(%dma_start3A_131 : memref<64x128xf32, #tpu.memory_space<vmem>>) offsets(%dma_start3A_133 : memref<64xi32, #tpu.memory_space<vmem>>) semaphore(%arg8 : memref<!tpu.dma_semaphore, #tpu.memory_space<semaphore_mem>>)
    %dma_wait3A_137 = arith.constant 320 : i32
    %dma_wait3A_138 = tpu.memref_slice %arg5[%dma_wait3A_137] : memref<512xi32, #tpu.memory_space<vmem>> -> memref<64xi32, #tpu.memory_space<vmem>>
    %dma_wait3A_139 = tpu.memref_slice %arg3[%add3A_43] : memref<16384xi32, #tpu.memory_space<hbm>> -> memref<64xi32, #tpu.memory_space<hbm>>
    %dma_wait3A_140 = arith.constant 320 : i32
    %dma_wait3A_141 = tpu.memref_slice %arg5[%dma_wait3A_140] : memref<512xi32, #tpu.memory_space<vmem>> -> memref<64xi32, #tpu.memory_space<vmem>>
    %dma_wait3A_142 = tpu.memref_slice %arg3[%add3A_43] : memref<16384xi32, #tpu.memory_space<hbm>> -> memref<64xi32, #tpu.memory_space<hbm>>
    tpu.wait_dma2 semaphore(%arg9 : memref<!tpu.dma_semaphore, #tpu.memory_space<semaphore_mem>>) src(%dma_wait3A_142 : memref<64xi32, #tpu.memory_space<hbm>>) dst(%dma_wait3A_141 : memref<64xi32, #tpu.memory_space<vmem>>)
    %dma_start3A_143 = arith.constant 320 : i32
    %dma_start3A_144 = arith.constant 0 : i32
    %dma_start3A_145 = tpu.memref_slice %arg7[%dma_start3A_143, %dma_start3A_144] : memref<512x128xf32, #tpu.memory_space<vmem>> -> memref<64x128xf32, #tpu.memory_space<vmem>>
    %dma_start3A_146 = arith.constant 320 : i32
    %dma_start3A_147 = tpu.memref_slice %arg5[%dma_start3A_146] : memref<512xi32, #tpu.memory_space<vmem>> -> memref<64xi32, #tpu.memory_space<vmem>>
    %dma_start3A_148 = arith.constant 0 : i32
    %dma_start3A_149 = arith.constant 0 : i32
    %dma_start3A_150 = tpu.memref_slice %arg6[%dma_start3A_148, %dma_start3A_149] : memref<10x128xf32, #tpu.memory_space<vmem_shared>> -> memref<10x128xf32, #tpu.memory_space<vmem_shared>>
    tpu.enqueue_indirect_dma source(%dma_start3A_150 : memref<10x128xf32, #tpu.memory_space<vmem_shared>>) target(%dma_start3A_145 : memref<64x128xf32, #tpu.memory_space<vmem>>) offsets(%dma_start3A_147 : memref<64xi32, #tpu.memory_space<vmem>>) semaphore(%arg8 : memref<!tpu.dma_semaphore, #tpu.memory_space<semaphore_mem>>)
    %dma_wait3A_151 = arith.constant 384 : i32
    %dma_wait3A_152 = tpu.memref_slice %arg5[%dma_wait3A_151] : memref<512xi32, #tpu.memory_space<vmem>> -> memref<64xi32, #tpu.memory_space<vmem>>
    %dma_wait3A_153 = tpu.memref_slice %arg3[%add3A_51] : memref<16384xi32, #tpu.memory_space<hbm>> -> memref<64xi32, #tpu.memory_space<hbm>>
    %dma_wait3A_154 = arith.constant 384 : i32
    %dma_wait3A_155 = tpu.memref_slice %arg5[%dma_wait3A_154] : memref<512xi32, #tpu.memory_space<vmem>> -> memref<64xi32, #tpu.memory_space<vmem>>
    %dma_wait3A_156 = tpu.memref_slice %arg3[%add3A_51] : memref<16384xi32, #tpu.memory_space<hbm>> -> memref<64xi32, #tpu.memory_space<hbm>>
    tpu.wait_dma2 semaphore(%arg9 : memref<!tpu.dma_semaphore, #tpu.memory_space<semaphore_mem>>) src(%dma_wait3A_156 : memref<64xi32, #tpu.memory_space<hbm>>) dst(%dma_wait3A_155 : memref<64xi32, #tpu.memory_space<vmem>>)
    %dma_start3A_157 = arith.constant 384 : i32
    %dma_start3A_158 = arith.constant 0 : i32
    %dma_start3A_159 = tpu.memref_slice %arg7[%dma_start3A_157, %dma_start3A_158] : memref<512x128xf32, #tpu.memory_space<vmem>> -> memref<64x128xf32, #tpu.memory_space<vmem>>
    %dma_start3A_160 = arith.constant 384 : i32
    %dma_start3A_161 = tpu.memref_slice %arg5[%dma_start3A_160] : memref<512xi32, #tpu.memory_space<vmem>> -> memref<64xi32, #tpu.memory_space<vmem>>
    %dma_start3A_162 = arith.constant 0 : i32
    %dma_start3A_163 = arith.constant 0 : i32
    %dma_start3A_164 = tpu.memref_slice %arg6[%dma_start3A_162, %dma_start3A_163] : memref<10x128xf32, #tpu.memory_space<vmem_shared>> -> memref<10x128xf32, #tpu.memory_space<vmem_shared>>
    tpu.enqueue_indirect_dma source(%dma_start3A_164 : memref<10x128xf32, #tpu.memory_space<vmem_shared>>) target(%dma_start3A_159 : memref<64x128xf32, #tpu.memory_space<vmem>>) offsets(%dma_start3A_161 : memref<64xi32, #tpu.memory_space<vmem>>) semaphore(%arg8 : memref<!tpu.dma_semaphore, #tpu.memory_space<semaphore_mem>>)
    %dma_wait3A_165 = arith.constant 448 : i32
    %dma_wait3A_166 = tpu.memref_slice %arg5[%dma_wait3A_165] : memref<512xi32, #tpu.memory_space<vmem>> -> memref<64xi32, #tpu.memory_space<vmem>>
    %dma_wait3A_167 = tpu.memref_slice %arg3[%add3A_59] : memref<16384xi32, #tpu.memory_space<hbm>> -> memref<64xi32, #tpu.memory_space<hbm>>
    %dma_wait3A_168 = arith.constant 448 : i32
    %dma_wait3A_169 = tpu.memref_slice %arg5[%dma_wait3A_168] : memref<512xi32, #tpu.memory_space<vmem>> -> memref<64xi32, #tpu.memory_space<vmem>>
    %dma_wait3A_170 = tpu.memref_slice %arg3[%add3A_59] : memref<16384xi32, #tpu.memory_space<hbm>> -> memref<64xi32, #tpu.memory_space<hbm>>
    tpu.wait_dma2 semaphore(%arg9 : memref<!tpu.dma_semaphore, #tpu.memory_space<semaphore_mem>>) src(%dma_wait3A_170 : memref<64xi32, #tpu.memory_space<hbm>>) dst(%dma_wait3A_169 : memref<64xi32, #tpu.memory_space<vmem>>)
    %dma_start3A_171 = arith.constant 448 : i32
    %dma_start3A_172 = arith.constant 0 : i32
    %dma_start3A_173 = tpu.memref_slice %arg7[%dma_start3A_171, %dma_start3A_172] : memref<512x128xf32, #tpu.memory_space<vmem>> -> memref<64x128xf32, #tpu.memory_space<vmem>>
    %dma_start3A_174 = arith.constant 448 : i32
    %dma_start3A_175 = tpu.memref_slice %arg5[%dma_start3A_174] : memref<512xi32, #tpu.memory_space<vmem>> -> memref<64xi32, #tpu.memory_space<vmem>>
    %dma_start3A_176 = arith.constant 0 : i32
    %dma_start3A_177 = arith.constant 0 : i32
    %dma_start3A_178 = tpu.memref_slice %arg6[%dma_start3A_176, %dma_start3A_177] : memref<10x128xf32, #tpu.memory_space<vmem_shared>> -> memref<10x128xf32, #tpu.memory_space<vmem_shared>>
    tpu.enqueue_indirect_dma source(%dma_start3A_178 : memref<10x128xf32, #tpu.memory_space<vmem_shared>>) target(%dma_start3A_173 : memref<64x128xf32, #tpu.memory_space<vmem>>) offsets(%dma_start3A_175 : memref<64xi32, #tpu.memory_space<vmem>>) semaphore(%arg8 : memref<!tpu.dma_semaphore, #tpu.memory_space<semaphore_mem>>)
    %dma_wait3A_179 = arith.constant 0 : i32
    %dma_wait3A_180 = arith.constant 0 : i32
    %dma_wait3A_181 = tpu.memref_slice %arg7[%dma_wait3A_179, %dma_wait3A_180] : memref<512x128xf32, #tpu.memory_space<vmem>> -> memref<64x128xf32, #tpu.memory_space<vmem>>
    %dma_wait3A_182 = arith.constant 0 : i32
    %dma_wait3A_183 = tpu.memref_slice %arg5[%dma_wait3A_182] : memref<512xi32, #tpu.memory_space<vmem>> -> memref<64xi32, #tpu.memory_space<vmem>>
    %dma_wait3A_184 = arith.constant 0 : i32
    %dma_wait3A_185 = arith.constant 0 : i32
    %dma_wait3A_186 = tpu.memref_slice %arg6[%dma_wait3A_184, %dma_wait3A_185] : memref<10x128xf32, #tpu.memory_space<vmem_shared>> -> memref<10x128xf32, #tpu.memory_space<vmem_shared>>
    tpu.wait_indirect_dma semaphore(%arg8 : memref<!tpu.dma_semaphore, #tpu.memory_space<semaphore_mem>>) src(%dma_wait3A_186 : memref<10x128xf32, #tpu.memory_space<vmem_shared>>) dst(%dma_wait3A_181 : memref<64x128xf32, #tpu.memory_space<vmem>>)
    %add3A_187 = arith.constant 0 : i32
    %add3A_188 = arith.addi %mul3A_2, %add3A_187 : i32
    %dma_start3A_189 = arith.constant 0 : i32
    %dma_start3A_190 = arith.constant 0 : i32
    %dma_start3A_191 = tpu.memref_slice %arg7[%dma_start3A_189, %dma_start3A_190] : memref<512x128xf32, #tpu.memory_space<vmem>> -> memref<64x128xf32, #tpu.memory_space<vmem>>
    %dma_start3A_192 = arith.constant 0 : i32
    %dma_start3A_193 = tpu.memref_slice %arg4[%add3A_188, %dma_start3A_192] : memref<16384x128xf32, #tpu.memory_space<hbm>> -> memref<64x128xf32, #tpu.memory_space<hbm>>
    %dma_start3A_194 = arith.constant 0 : i32
    %dma_start3A_195 = tpu.memref_slice %arg4[%add3A_188, %dma_start3A_194] : memref<16384x128xf32, #tpu.memory_space<hbm>> -> memref<64x128xf32, #tpu.memory_space<hbm>>
    %dma_start3A_196 = arith.constant 0 : i32
    %dma_start3A_197 = arith.constant 0 : i32
    %dma_start3A_198 = tpu.memref_slice %arg7[%dma_start3A_196, %dma_start3A_197] : memref<512x128xf32, #tpu.memory_space<vmem>> -> memref<64x128xf32, #tpu.memory_space<vmem>>
    tpu.enqueue_dma source(%dma_start3A_198 : memref<64x128xf32, #tpu.memory_space<vmem>>) target(%dma_start3A_195 : memref<64x128xf32, #tpu.memory_space<hbm>>) target_semaphore(%arg9 : memref<!tpu.dma_semaphore, #tpu.memory_space<semaphore_mem>>)
    %dma_wait3A_199 = arith.constant 64 : i32
    %dma_wait3A_200 = arith.constant 0 : i32
    %dma_wait3A_201 = tpu.memref_slice %arg7[%dma_wait3A_199, %dma_wait3A_200] : memref<512x128xf32, #tpu.memory_space<vmem>> -> memref<64x128xf32, #tpu.memory_space<vmem>>
    %dma_wait3A_202 = arith.constant 64 : i32
    %dma_wait3A_203 = tpu.memref_slice %arg5[%dma_wait3A_202] : memref<512xi32, #tpu.memory_space<vmem>> -> memref<64xi32, #tpu.memory_space<vmem>>
    %dma_wait3A_204 = arith.constant 0 : i32
    %dma_wait3A_205 = arith.constant 0 : i32
    %dma_wait3A_206 = tpu.memref_slice %arg6[%dma_wait3A_204, %dma_wait3A_205] : memref<10x128xf32, #tpu.memory_space<vmem_shared>> -> memref<10x128xf32, #tpu.memory_space<vmem_shared>>
    tpu.wait_indirect_dma semaphore(%arg8 : memref<!tpu.dma_semaphore, #tpu.memory_space<semaphore_mem>>) src(%dma_wait3A_206 : memref<10x128xf32, #tpu.memory_space<vmem_shared>>) dst(%dma_wait3A_201 : memref<64x128xf32, #tpu.memory_space<vmem>>)
    %add3A_207 = arith.constant 64 : i32
    %add3A_208 = arith.addi %mul3A_2, %add3A_207 : i32
    %dma_start3A_209 = arith.constant 64 : i32
    %dma_start3A_210 = arith.constant 0 : i32
    %dma_start3A_211 = tpu.memref_slice %arg7[%dma_start3A_209, %dma_start3A_210] : memref<512x128xf32, #tpu.memory_space<vmem>> -> memref<64x128xf32, #tpu.memory_space<vmem>>
    %dma_start3A_212 = arith.constant 0 : i32
    %dma_start3A_213 = tpu.memref_slice %arg4[%add3A_208, %dma_start3A_212] : memref<16384x128xf32, #tpu.memory_space<hbm>> -> memref<64x128xf32, #tpu.memory_space<hbm>>
    %dma_start3A_214 = arith.constant 0 : i32
    %dma_start3A_215 = tpu.memref_slice %arg4[%add3A_208, %dma_start3A_214] : memref<16384x128xf32, #tpu.memory_space<hbm>> -> memref<64x128xf32, #tpu.memory_space<hbm>>
    %dma_start3A_216 = arith.constant 64 : i32
    %dma_start3A_217 = arith.constant 0 : i32
    %dma_start3A_218 = tpu.memref_slice %arg7[%dma_start3A_216, %dma_start3A_217] : memref<512x128xf32, #tpu.memory_space<vmem>> -> memref<64x128xf32, #tpu.memory_space<vmem>>
    tpu.enqueue_dma source(%dma_start3A_218 : memref<64x128xf32, #tpu.memory_space<vmem>>) target(%dma_start3A_215 : memref<64x128xf32, #tpu.memory_space<hbm>>) target_semaphore(%arg9 : memref<!tpu.dma_semaphore, #tpu.memory_space<semaphore_mem>>)
    %dma_wait3A_219 = arith.constant 128 : i32
    %dma_wait3A_220 = arith.constant 0 : i32
    %dma_wait3A_221 = tpu.memref_slice %arg7[%dma_wait3A_219, %dma_wait3A_220] : memref<512x128xf32, #tpu.memory_space<vmem>> -> memref<64x128xf32, #tpu.memory_space<vmem>>
    %dma_wait3A_222 = arith.constant 128 : i32
    %dma_wait3A_223 = tpu.memref_slice %arg5[%dma_wait3A_222] : memref<512xi32, #tpu.memory_space<vmem>> -> memref<64xi32, #tpu.memory_space<vmem>>
    %dma_wait3A_224 = arith.constant 0 : i32
    %dma_wait3A_225 = arith.constant 0 : i32
    %dma_wait3A_226 = tpu.memref_slice %arg6[%dma_wait3A_224, %dma_wait3A_225] : memref<10x128xf32, #tpu.memory_space<vmem_shared>> -> memref<10x128xf32, #tpu.memory_space<vmem_shared>>
    tpu.wait_indirect_dma semaphore(%arg8 : memref<!tpu.dma_semaphore, #tpu.memory_space<semaphore_mem>>) src(%dma_wait3A_226 : memref<10x128xf32, #tpu.memory_space<vmem_shared>>) dst(%dma_wait3A_221 : memref<64x128xf32, #tpu.memory_space<vmem>>)
    %add3A_227 = arith.constant 128 : i32
    %add3A_228 = arith.addi %mul3A_2, %add3A_227 : i32
    %dma_start3A_229 = arith.constant 128 : i32
    %dma_start3A_230 = arith.constant 0 : i32
    %dma_start3A_231 = tpu.memref_slice %arg7[%dma_start3A_229, %dma_start3A_230] : memref<512x128xf32, #tpu.memory_space<vmem>> -> memref<64x128xf32, #tpu.memory_space<vmem>>
    %dma_start3A_232 = arith.constant 0 : i32
    %dma_start3A_233 = tpu.memref_slice %arg4[%add3A_228, %dma_start3A_232] : memref<16384x128xf32, #tpu.memory_space<hbm>> -> memref<64x128xf32, #tpu.memory_space<hbm>>
    %dma_start3A_234 = arith.constant 0 : i32
    %dma_start3A_235 = tpu.memref_slice %arg4[%add3A_228, %dma_start3A_234] : memref<16384x128xf32, #tpu.memory_space<hbm>> -> memref<64x128xf32, #tpu.memory_space<hbm>>
    %dma_start3A_236 = arith.constant 128 : i32
    %dma_start3A_237 = arith.constant 0 : i32
    %dma_start3A_238 = tpu.memref_slice %arg7[%dma_start3A_236, %dma_start3A_237] : memref<512x128xf32, #tpu.memory_space<vmem>> -> memref<64x128xf32, #tpu.memory_space<vmem>>
    tpu.enqueue_dma source(%dma_start3A_238 : memref<64x128xf32, #tpu.memory_space<vmem>>) target(%dma_start3A_235 : memref<64x128xf32, #tpu.memory_space<hbm>>) target_semaphore(%arg9 : memref<!tpu.dma_semaphore, #tpu.memory_space<semaphore_mem>>)
    %dma_wait3A_239 = arith.constant 192 : i32
    %dma_wait3A_240 = arith.constant 0 : i32
    %dma_wait3A_241 = tpu.memref_slice %arg7[%dma_wait3A_239, %dma_wait3A_240] : memref<512x128xf32, #tpu.memory_space<vmem>> -> memref<64x128xf32, #tpu.memory_space<vmem>>
    %dma_wait3A_242 = arith.constant 192 : i32
    %dma_wait3A_243 = tpu.memref_slice %arg5[%dma_wait3A_242] : memref<512xi32, #tpu.memory_space<vmem>> -> memref<64xi32, #tpu.memory_space<vmem>>
    %dma_wait3A_244 = arith.constant 0 : i32
    %dma_wait3A_245 = arith.constant 0 : i32
    %dma_wait3A_246 = tpu.memref_slice %arg6[%dma_wait3A_244, %dma_wait3A_245] : memref<10x128xf32, #tpu.memory_space<vmem_shared>> -> memref<10x128xf32, #tpu.memory_space<vmem_shared>>
    tpu.wait_indirect_dma semaphore(%arg8 : memref<!tpu.dma_semaphore, #tpu.memory_space<semaphore_mem>>) src(%dma_wait3A_246 : memref<10x128xf32, #tpu.memory_space<vmem_shared>>) dst(%dma_wait3A_241 : memref<64x128xf32, #tpu.memory_space<vmem>>)
    %add3A_247 = arith.constant 192 : i32
    %add3A_248 = arith.addi %mul3A_2, %add3A_247 : i32
    %dma_start3A_249 = arith.constant 192 : i32
    %dma_start3A_250 = arith.constant 0 : i32
    %dma_start3A_251 = tpu.memref_slice %arg7[%dma_start3A_249, %dma_start3A_250] : memref<512x128xf32, #tpu.memory_space<vmem>> -> memref<64x128xf32, #tpu.memory_space<vmem>>
    %dma_start3A_252 = arith.constant 0 : i32
    %dma_start3A_253 = tpu.memref_slice %arg4[%add3A_248, %dma_start3A_252] : memref<16384x128xf32, #tpu.memory_space<hbm>> -> memref<64x128xf32, #tpu.memory_space<hbm>>
    %dma_start3A_254 = arith.constant 0 : i32
    %dma_start3A_255 = tpu.memref_slice %arg4[%add3A_248, %dma_start3A_254] : memref<16384x128xf32, #tpu.memory_space<hbm>> -> memref<64x128xf32, #tpu.memory_space<hbm>>
    %dma_start3A_256 = arith.constant 192 : i32
    %dma_start3A_257 = arith.constant 0 : i32
    %dma_start3A_258 = tpu.memref_slice %arg7[%dma_start3A_256, %dma_start3A_257] : memref<512x128xf32, #tpu.memory_space<vmem>> -> memref<64x128xf32, #tpu.memory_space<vmem>>
    tpu.enqueue_dma source(%dma_start3A_258 : memref<64x128xf32, #tpu.memory_space<vmem>>) target(%dma_start3A_255 : memref<64x128xf32, #tpu.memory_space<hbm>>) target_semaphore(%arg9 : memref<!tpu.dma_semaphore, #tpu.memory_space<semaphore_mem>>)
    %dma_wait3A_259 = arith.constant 256 : i32
    %dma_wait3A_260 = arith.constant 0 : i32
    %dma_wait3A_261 = tpu.memref_slice %arg7[%dma_wait3A_259, %dma_wait3A_260] : memref<512x128xf32, #tpu.memory_space<vmem>> -> memref<64x128xf32, #tpu.memory_space<vmem>>
    %dma_wait3A_262 = arith.constant 256 : i32
    %dma_wait3A_263 = tpu.memref_slice %arg5[%dma_wait3A_262] : memref<512xi32, #tpu.memory_space<vmem>> -> memref<64xi32, #tpu.memory_space<vmem>>
    %dma_wait3A_264 = arith.constant 0 : i32
    %dma_wait3A_265 = arith.constant 0 : i32
    %dma_wait3A_266 = tpu.memref_slice %arg6[%dma_wait3A_264, %dma_wait3A_265] : memref<10x128xf32, #tpu.memory_space<vmem_shared>> -> memref<10x128xf32, #tpu.memory_space<vmem_shared>>
    tpu.wait_indirect_dma semaphore(%arg8 : memref<!tpu.dma_semaphore, #tpu.memory_space<semaphore_mem>>) src(%dma_wait3A_266 : memref<10x128xf32, #tpu.memory_space<vmem_shared>>) dst(%dma_wait3A_261 : memref<64x128xf32, #tpu.memory_space<vmem>>)
    %add3A_267 = arith.constant 256 : i32
    %add3A_268 = arith.addi %mul3A_2, %add3A_267 : i32
    %dma_start3A_269 = arith.constant 256 : i32
    %dma_start3A_270 = arith.constant 0 : i32
    %dma_start3A_271 = tpu.memref_slice %arg7[%dma_start3A_269, %dma_start3A_270] : memref<512x128xf32, #tpu.memory_space<vmem>> -> memref<64x128xf32, #tpu.memory_space<vmem>>
    %dma_start3A_272 = arith.constant 0 : i32
    %dma_start3A_273 = tpu.memref_slice %arg4[%add3A_268, %dma_start3A_272] : memref<16384x128xf32, #tpu.memory_space<hbm>> -> memref<64x128xf32, #tpu.memory_space<hbm>>
    %dma_start3A_274 = arith.constant 0 : i32
    %dma_start3A_275 = tpu.memref_slice %arg4[%add3A_268, %dma_start3A_274] : memref<16384x128xf32, #tpu.memory_space<hbm>> -> memref<64x128xf32, #tpu.memory_space<hbm>>
    %dma_start3A_276 = arith.constant 256 : i32
    %dma_start3A_277 = arith.constant 0 : i32
    %dma_start3A_278 = tpu.memref_slice %arg7[%dma_start3A_276, %dma_start3A_277] : memref<512x128xf32, #tpu.memory_space<vmem>> -> memref<64x128xf32, #tpu.memory_space<vmem>>
    tpu.enqueue_dma source(%dma_start3A_278 : memref<64x128xf32, #tpu.memory_space<vmem>>) target(%dma_start3A_275 : memref<64x128xf32, #tpu.memory_space<hbm>>) target_semaphore(%arg9 : memref<!tpu.dma_semaphore, #tpu.memory_space<semaphore_mem>>)
    %dma_wait3A_279 = arith.constant 320 : i32
    %dma_wait3A_280 = arith.constant 0 : i32
    %dma_wait3A_281 = tpu.memref_slice %arg7[%dma_wait3A_279, %dma_wait3A_280] : memref<512x128xf32, #tpu.memory_space<vmem>> -> memref<64x128xf32, #tpu.memory_space<vmem>>
    %dma_wait3A_282 = arith.constant 320 : i32
    %dma_wait3A_283 = tpu.memref_slice %arg5[%dma_wait3A_282] : memref<512xi32, #tpu.memory_space<vmem>> -> memref<64xi32, #tpu.memory_space<vmem>>
    %dma_wait3A_284 = arith.constant 0 : i32
    %dma_wait3A_285 = arith.constant 0 : i32
    %dma_wait3A_286 = tpu.memref_slice %arg6[%dma_wait3A_284, %dma_wait3A_285] : memref<10x128xf32, #tpu.memory_space<vmem_shared>> -> memref<10x128xf32, #tpu.memory_space<vmem_shared>>
    tpu.wait_indirect_dma semaphore(%arg8 : memref<!tpu.dma_semaphore, #tpu.memory_space<semaphore_mem>>) src(%dma_wait3A_286 : memref<10x128xf32, #tpu.memory_space<vmem_shared>>) dst(%dma_wait3A_281 : memref<64x128xf32, #tpu.memory_space<vmem>>)
    %add3A_287 = arith.constant 320 : i32
    %add3A_288 = arith.addi %mul3A_2, %add3A_287 : i32
    %dma_start3A_289 = arith.constant 320 : i32
    %dma_start3A_290 = arith.constant 0 : i32
    %dma_start3A_291 = tpu.memref_slice %arg7[%dma_start3A_289, %dma_start3A_290] : memref<512x128xf32, #tpu.memory_space<vmem>> -> memref<64x128xf32, #tpu.memory_space<vmem>>
    %dma_start3A_292 = arith.constant 0 : i32
    %dma_start3A_293 = tpu.memref_slice %arg4[%add3A_288, %dma_start3A_292] : memref<16384x128xf32, #tpu.memory_space<hbm>> -> memref<64x128xf32, #tpu.memory_space<hbm>>
    %dma_start3A_294 = arith.constant 0 : i32
    %dma_start3A_295 = tpu.memref_slice %arg4[%add3A_288, %dma_start3A_294] : memref<16384x128xf32, #tpu.memory_space<hbm>> -> memref<64x128xf32, #tpu.memory_space<hbm>>
    %dma_start3A_296 = arith.constant 320 : i32
    %dma_start3A_297 = arith.constant 0 : i32
    %dma_start3A_298 = tpu.memref_slice %arg7[%dma_start3A_296, %dma_start3A_297] : memref<512x128xf32, #tpu.memory_space<vmem>> -> memref<64x128xf32, #tpu.memory_space<vmem>>
    tpu.enqueue_dma source(%dma_start3A_298 : memref<64x128xf32, #tpu.memory_space<vmem>>) target(%dma_start3A_295 : memref<64x128xf32, #tpu.memory_space<hbm>>) target_semaphore(%arg9 : memref<!tpu.dma_semaphore, #tpu.memory_space<semaphore_mem>>)
    %dma_wait3A_299 = arith.constant 384 : i32
    %dma_wait3A_300 = arith.constant 0 : i32
    %dma_wait3A_301 = tpu.memref_slice %arg7[%dma_wait3A_299, %dma_wait3A_300] : memref<512x128xf32, #tpu.memory_space<vmem>> -> memref<64x128xf32, #tpu.memory_space<vmem>>
    %dma_wait3A_302 = arith.constant 384 : i32
    %dma_wait3A_303 = tpu.memref_slice %arg5[%dma_wait3A_302] : memref<512xi32, #tpu.memory_space<vmem>> -> memref<64xi32, #tpu.memory_space<vmem>>
    %dma_wait3A_304 = arith.constant 0 : i32
    %dma_wait3A_305 = arith.constant 0 : i32
    %dma_wait3A_306 = tpu.memref_slice %arg6[%dma_wait3A_304, %dma_wait3A_305] : memref<10x128xf32, #tpu.memory_space<vmem_shared>> -> memref<10x128xf32, #tpu.memory_space<vmem_shared>>
    tpu.wait_indirect_dma semaphore(%arg8 : memref<!tpu.dma_semaphore, #tpu.memory_space<semaphore_mem>>) src(%dma_wait3A_306 : memref<10x128xf32, #tpu.memory_space<vmem_shared>>) dst(%dma_wait3A_301 : memref<64x128xf32, #tpu.memory_space<vmem>>)
    %add3A_307 = arith.constant 384 : i32
    %add3A_308 = arith.addi %mul3A_2, %add3A_307 : i32
    %dma_start3A_309 = arith.constant 384 : i32
    %dma_start3A_310 = arith.constant 0 : i32
    %dma_start3A_311 = tpu.memref_slice %arg7[%dma_start3A_309, %dma_start3A_310] : memref<512x128xf32, #tpu.memory_space<vmem>> -> memref<64x128xf32, #tpu.memory_space<vmem>>
    %dma_start3A_312 = arith.constant 0 : i32
    %dma_start3A_313 = tpu.memref_slice %arg4[%add3A_308, %dma_start3A_312] : memref<16384x128xf32, #tpu.memory_space<hbm>> -> memref<64x128xf32, #tpu.memory_space<hbm>>
    %dma_start3A_314 = arith.constant 0 : i32
    %dma_start3A_315 = tpu.memref_slice %arg4[%add3A_308, %dma_start3A_314] : memref<16384x128xf32, #tpu.memory_space<hbm>> -> memref<64x128xf32, #tpu.memory_space<hbm>>
    %dma_start3A_316 = arith.constant 384 : i32
    %dma_start3A_317 = arith.constant 0 : i32
    %dma_start3A_318 = tpu.memref_slice %arg7[%dma_start3A_316, %dma_start3A_317] : memref<512x128xf32, #tpu.memory_space<vmem>> -> memref<64x128xf32, #tpu.memory_space<vmem>>
    tpu.enqueue_dma source(%dma_start3A_318 : memref<64x128xf32, #tpu.memory_space<vmem>>) target(%dma_start3A_315 : memref<64x128xf32, #tpu.memory_space<hbm>>) target_semaphore(%arg9 : memref<!tpu.dma_semaphore, #tpu.memory_space<semaphore_mem>>)
    %dma_wait3A_319 = arith.constant 448 : i32
    %dma_wait3A_320 = arith.constant 0 : i32
    %dma_wait3A_321 = tpu.memref_slice %arg7[%dma_wait3A_319, %dma_wait3A_320] : memref<512x128xf32, #tpu.memory_space<vmem>> -> memref<64x128xf32, #tpu.memory_space<vmem>>
    %dma_wait3A_322 = arith.constant 448 : i32
    %dma_wait3A_323 = tpu.memref_slice %arg5[%dma_wait3A_322] : memref<512xi32, #tpu.memory_space<vmem>> -> memref<64xi32, #tpu.memory_space<vmem>>
    %dma_wait3A_324 = arith.constant 0 : i32
    %dma_wait3A_325 = arith.constant 0 : i32
    %dma_wait3A_326 = tpu.memref_slice %arg6[%dma_wait3A_324, %dma_wait3A_325] : memref<10x128xf32, #tpu.memory_space<vmem_shared>> -> memref<10x128xf32, #tpu.memory_space<vmem_shared>>
    tpu.wait_indirect_dma semaphore(%arg8 : memref<!tpu.dma_semaphore, #tpu.memory_space<semaphore_mem>>) src(%dma_wait3A_326 : memref<10x128xf32, #tpu.memory_space<vmem_shared>>) dst(%dma_wait3A_321 : memref<64x128xf32, #tpu.memory_space<vmem>>)
    %add3A_327 = arith.constant 448 : i32
    %add3A_328 = arith.addi %mul3A_2, %add3A_327 : i32
    %dma_start3A_329 = arith.constant 448 : i32
    %dma_start3A_330 = arith.constant 0 : i32
    %dma_start3A_331 = tpu.memref_slice %arg7[%dma_start3A_329, %dma_start3A_330] : memref<512x128xf32, #tpu.memory_space<vmem>> -> memref<64x128xf32, #tpu.memory_space<vmem>>
    %dma_start3A_332 = arith.constant 0 : i32
    %dma_start3A_333 = tpu.memref_slice %arg4[%add3A_328, %dma_start3A_332] : memref<16384x128xf32, #tpu.memory_space<hbm>> -> memref<64x128xf32, #tpu.memory_space<hbm>>
    %dma_start3A_334 = arith.constant 0 : i32
    %dma_start3A_335 = tpu.memref_slice %arg4[%add3A_328, %dma_start3A_334] : memref<16384x128xf32, #tpu.memory_space<hbm>> -> memref<64x128xf32, #tpu.memory_space<hbm>>
    %dma_start3A_336 = arith.constant 448 : i32
    %dma_start3A_337 = arith.constant 0 : i32
    %dma_start3A_338 = tpu.memref_slice %arg7[%dma_start3A_336, %dma_start3A_337] : memref<512x128xf32, #tpu.memory_space<vmem>> -> memref<64x128xf32, #tpu.memory_space<vmem>>
    tpu.enqueue_dma source(%dma_start3A_338 : memref<64x128xf32, #tpu.memory_space<vmem>>) target(%dma_start3A_335 : memref<64x128xf32, #tpu.memory_space<hbm>>) target_semaphore(%arg9 : memref<!tpu.dma_semaphore, #tpu.memory_space<semaphore_mem>>)
    %dma_wait3A_339 = arith.constant 0 : i32
    %dma_wait3A_340 = arith.constant 0 : i32
    %dma_wait3A_341 = tpu.memref_slice %arg7[%dma_wait3A_339, %dma_wait3A_340] : memref<512x128xf32, #tpu.memory_space<vmem>> -> memref<64x128xf32, #tpu.memory_space<vmem>>
    %dma_wait3A_342 = arith.constant 0 : i32
    %dma_wait3A_343 = tpu.memref_slice %arg4[%add3A_188, %dma_wait3A_342] : memref<16384x128xf32, #tpu.memory_space<hbm>> -> memref<64x128xf32, #tpu.memory_space<hbm>>
    %dma_wait3A_344 = arith.constant 0 : i32
    %dma_wait3A_345 = tpu.memref_slice %arg4[%add3A_188, %dma_wait3A_344] : memref<16384x128xf32, #tpu.memory_space<hbm>> -> memref<64x128xf32, #tpu.memory_space<hbm>>
    %dma_wait3A_346 = arith.constant 0 : i32
    %dma_wait3A_347 = arith.constant 0 : i32
    %dma_wait3A_348 = tpu.memref_slice %arg7[%dma_wait3A_346, %dma_wait3A_347] : memref<512x128xf32, #tpu.memory_space<vmem>> -> memref<64x128xf32, #tpu.memory_space<vmem>>
    tpu.wait_dma2 semaphore(%arg9 : memref<!tpu.dma_semaphore, #tpu.memory_space<semaphore_mem>>) src(%dma_wait3A_348 : memref<64x128xf32, #tpu.memory_space<vmem>>) dst(%dma_wait3A_345 : memref<64x128xf32, #tpu.memory_space<hbm>>)
    %dma_wait3A_349 = arith.constant 64 : i32
    %dma_wait3A_350 = arith.constant 0 : i32
    %dma_wait3A_351 = tpu.memref_slice %arg7[%dma_wait3A_349, %dma_wait3A_350] : memref<512x128xf32, #tpu.memory_space<vmem>> -> memref<64x128xf32, #tpu.memory_space<vmem>>
    %dma_wait3A_352 = arith.constant 0 : i32
    %dma_wait3A_353 = tpu.memref_slice %arg4[%add3A_208, %dma_wait3A_352] : memref<16384x128xf32, #tpu.memory_space<hbm>> -> memref<64x128xf32, #tpu.memory_space<hbm>>
    %dma_wait3A_354 = arith.constant 0 : i32
    %dma_wait3A_355 = tpu.memref_slice %arg4[%add3A_208, %dma_wait3A_354] : memref<16384x128xf32, #tpu.memory_space<hbm>> -> memref<64x128xf32, #tpu.memory_space<hbm>>
    %dma_wait3A_356 = arith.constant 64 : i32
    %dma_wait3A_357 = arith.constant 0 : i32
    %dma_wait3A_358 = tpu.memref_slice %arg7[%dma_wait3A_356, %dma_wait3A_357] : memref<512x128xf32, #tpu.memory_space<vmem>> -> memref<64x128xf32, #tpu.memory_space<vmem>>
    tpu.wait_dma2 semaphore(%arg9 : memref<!tpu.dma_semaphore, #tpu.memory_space<semaphore_mem>>) src(%dma_wait3A_358 : memref<64x128xf32, #tpu.memory_space<vmem>>) dst(%dma_wait3A_355 : memref<64x128xf32, #tpu.memory_space<hbm>>)
    %dma_wait3A_359 = arith.constant 128 : i32
    %dma_wait3A_360 = arith.constant 0 : i32
    %dma_wait3A_361 = tpu.memref_slice %arg7[%dma_wait3A_359, %dma_wait3A_360] : memref<512x128xf32, #tpu.memory_space<vmem>> -> memref<64x128xf32, #tpu.memory_space<vmem>>
    %dma_wait3A_362 = arith.constant 0 : i32
    %dma_wait3A_363 = tpu.memref_slice %arg4[%add3A_228, %dma_wait3A_362] : memref<16384x128xf32, #tpu.memory_space<hbm>> -> memref<64x128xf32, #tpu.memory_space<hbm>>
    %dma_wait3A_364 = arith.constant 0 : i32
    %dma_wait3A_365 = tpu.memref_slice %arg4[%add3A_228, %dma_wait3A_364] : memref<16384x128xf32, #tpu.memory_space<hbm>> -> memref<64x128xf32, #tpu.memory_space<hbm>>
    %dma_wait3A_366 = arith.constant 128 : i32
    %dma_wait3A_367 = arith.constant 0 : i32
    %dma_wait3A_368 = tpu.memref_slice %arg7[%dma_wait3A_366, %dma_wait3A_367] : memref<512x128xf32, #tpu.memory_space<vmem>> -> memref<64x128xf32, #tpu.memory_space<vmem>>
    tpu.wait_dma2 semaphore(%arg9 : memref<!tpu.dma_semaphore, #tpu.memory_space<semaphore_mem>>) src(%dma_wait3A_368 : memref<64x128xf32, #tpu.memory_space<vmem>>) dst(%dma_wait3A_365 : memref<64x128xf32, #tpu.memory_space<hbm>>)
    %dma_wait3A_369 = arith.constant 192 : i32
    %dma_wait3A_370 = arith.constant 0 : i32
    %dma_wait3A_371 = tpu.memref_slice %arg7[%dma_wait3A_369, %dma_wait3A_370] : memref<512x128xf32, #tpu.memory_space<vmem>> -> memref<64x128xf32, #tpu.memory_space<vmem>>
    %dma_wait3A_372 = arith.constant 0 : i32
    %dma_wait3A_373 = tpu.memref_slice %arg4[%add3A_248, %dma_wait3A_372] : memref<16384x128xf32, #tpu.memory_space<hbm>> -> memref<64x128xf32, #tpu.memory_space<hbm>>
    %dma_wait3A_374 = arith.constant 0 : i32
    %dma_wait3A_375 = tpu.memref_slice %arg4[%add3A_248, %dma_wait3A_374] : memref<16384x128xf32, #tpu.memory_space<hbm>> -> memref<64x128xf32, #tpu.memory_space<hbm>>
    %dma_wait3A_376 = arith.constant 192 : i32
    %dma_wait3A_377 = arith.constant 0 : i32
    %dma_wait3A_378 = tpu.memref_slice %arg7[%dma_wait3A_376, %dma_wait3A_377] : memref<512x128xf32, #tpu.memory_space<vmem>> -> memref<64x128xf32, #tpu.memory_space<vmem>>
    tpu.wait_dma2 semaphore(%arg9 : memref<!tpu.dma_semaphore, #tpu.memory_space<semaphore_mem>>) src(%dma_wait3A_378 : memref<64x128xf32, #tpu.memory_space<vmem>>) dst(%dma_wait3A_375 : memref<64x128xf32, #tpu.memory_space<hbm>>)
    %dma_wait3A_379 = arith.constant 256 : i32
    %dma_wait3A_380 = arith.constant 0 : i32
    %dma_wait3A_381 = tpu.memref_slice %arg7[%dma_wait3A_379, %dma_wait3A_380] : memref<512x128xf32, #tpu.memory_space<vmem>> -> memref<64x128xf32, #tpu.memory_space<vmem>>
    %dma_wait3A_382 = arith.constant 0 : i32
    %dma_wait3A_383 = tpu.memref_slice %arg4[%add3A_268, %dma_wait3A_382] : memref<16384x128xf32, #tpu.memory_space<hbm>> -> memref<64x128xf32, #tpu.memory_space<hbm>>
    %dma_wait3A_384 = arith.constant 0 : i32
    %dma_wait3A_385 = tpu.memref_slice %arg4[%add3A_268, %dma_wait3A_384] : memref<16384x128xf32, #tpu.memory_space<hbm>> -> memref<64x128xf32, #tpu.memory_space<hbm>>
    %dma_wait3A_386 = arith.constant 256 : i32
    %dma_wait3A_387 = arith.constant 0 : i32
    %dma_wait3A_388 = tpu.memref_slice %arg7[%dma_wait3A_386, %dma_wait3A_387] : memref<512x128xf32, #tpu.memory_space<vmem>> -> memref<64x128xf32, #tpu.memory_space<vmem>>
    tpu.wait_dma2 semaphore(%arg9 : memref<!tpu.dma_semaphore, #tpu.memory_space<semaphore_mem>>) src(%dma_wait3A_388 : memref<64x128xf32, #tpu.memory_space<vmem>>) dst(%dma_wait3A_385 : memref<64x128xf32, #tpu.memory_space<hbm>>)
    %dma_wait3A_389 = arith.constant 320 : i32
    %dma_wait3A_390 = arith.constant 0 : i32
    %dma_wait3A_391 = tpu.memref_slice %arg7[%dma_wait3A_389, %dma_wait3A_390] : memref<512x128xf32, #tpu.memory_space<vmem>> -> memref<64x128xf32, #tpu.memory_space<vmem>>
    %dma_wait3A_392 = arith.constant 0 : i32
    %dma_wait3A_393 = tpu.memref_slice %arg4[%add3A_288, %dma_wait3A_392] : memref<16384x128xf32, #tpu.memory_space<hbm>> -> memref<64x128xf32, #tpu.memory_space<hbm>>
    %dma_wait3A_394 = arith.constant 0 : i32
    %dma_wait3A_395 = tpu.memref_slice %arg4[%add3A_288, %dma_wait3A_394] : memref<16384x128xf32, #tpu.memory_space<hbm>> -> memref<64x128xf32, #tpu.memory_space<hbm>>
    %dma_wait3A_396 = arith.constant 320 : i32
    %dma_wait3A_397 = arith.constant 0 : i32
    %dma_wait3A_398 = tpu.memref_slice %arg7[%dma_wait3A_396, %dma_wait3A_397] : memref<512x128xf32, #tpu.memory_space<vmem>> -> memref<64x128xf32, #tpu.memory_space<vmem>>
    tpu.wait_dma2 semaphore(%arg9 : memref<!tpu.dma_semaphore, #tpu.memory_space<semaphore_mem>>) src(%dma_wait3A_398 : memref<64x128xf32, #tpu.memory_space<vmem>>) dst(%dma_wait3A_395 : memref<64x128xf32, #tpu.memory_space<hbm>>)
    %dma_wait3A_399 = arith.constant 384 : i32
    %dma_wait3A_400 = arith.constant 0 : i32
    %dma_wait3A_401 = tpu.memref_slice %arg7[%dma_wait3A_399, %dma_wait3A_400] : memref<512x128xf32, #tpu.memory_space<vmem>> -> memref<64x128xf32, #tpu.memory_space<vmem>>
    %dma_wait3A_402 = arith.constant 0 : i32
    %dma_wait3A_403 = tpu.memref_slice %arg4[%add3A_308, %dma_wait3A_402] : memref<16384x128xf32, #tpu.memory_space<hbm>> -> memref<64x128xf32, #tpu.memory_space<hbm>>
    %dma_wait3A_404 = arith.constant 0 : i32
    %dma_wait3A_405 = tpu.memref_slice %arg4[%add3A_308, %dma_wait3A_404] : memref<16384x128xf32, #tpu.memory_space<hbm>> -> memref<64x128xf32, #tpu.memory_space<hbm>>
    %dma_wait3A_406 = arith.constant 384 : i32
    %dma_wait3A_407 = arith.constant 0 : i32
    %dma_wait3A_408 = tpu.memref_slice %arg7[%dma_wait3A_406, %dma_wait3A_407] : memref<512x128xf32, #tpu.memory_space<vmem>> -> memref<64x128xf32, #tpu.memory_space<vmem>>
    tpu.wait_dma2 semaphore(%arg9 : memref<!tpu.dma_semaphore, #tpu.memory_space<semaphore_mem>>) src(%dma_wait3A_408 : memref<64x128xf32, #tpu.memory_space<vmem>>) dst(%dma_wait3A_405 : memref<64x128xf32, #tpu.memory_space<hbm>>)
    %dma_wait3A_409 = arith.constant 448 : i32
    %dma_wait3A_410 = arith.constant 0 : i32
    %dma_wait3A_411 = tpu.memref_slice %arg7[%dma_wait3A_409, %dma_wait3A_410] : memref<512x128xf32, #tpu.memory_space<vmem>> -> memref<64x128xf32, #tpu.memory_space<vmem>>
    %dma_wait3A_412 = arith.constant 0 : i32
    %dma_wait3A_413 = tpu.memref_slice %arg4[%add3A_328, %dma_wait3A_412] : memref<16384x128xf32, #tpu.memory_space<hbm>> -> memref<64x128xf32, #tpu.memory_space<hbm>>
    %dma_wait3A_414 = arith.constant 0 : i32
    %dma_wait3A_415 = tpu.memref_slice %arg4[%add3A_328, %dma_wait3A_414] : memref<16384x128xf32, #tpu.memory_space<hbm>> -> memref<64x128xf32, #tpu.memory_space<hbm>>
    %dma_wait3A_416 = arith.constant 448 : i32
    %dma_wait3A_417 = arith.constant 0 : i32
    %dma_wait3A_418 = tpu.memref_slice %arg7[%dma_wait3A_416, %dma_wait3A_417] : memref<512x128xf32, #tpu.memory_space<vmem>> -> memref<64x128xf32, #tpu.memory_space<vmem>>
    tpu.wait_dma2 semaphore(%arg9 : memref<!tpu.dma_semaphore, #tpu.memory_space<semaphore_mem>>) src(%dma_wait3A_418 : memref<64x128xf32, #tpu.memory_space<vmem>>) dst(%dma_wait3A_415 : memref<64x128xf32, #tpu.memory_space<hbm>>)
    return
  }
}

</mosaic_0001>

<sc_bundles>
// kernel: kernel.3.cloned.1.call-start
scs
__scs_entry_jumppad:
0x0: {  	(pc) =	sbr.rel $0x88, $3  }
0x1: {  	(tag) =	ssettag $0x0;
	lr =	simm.s32 $0x1  }
0x2: {  	[smem:$0x3F9F] =	sst lr;
	_ =	strace $0xD0000000  }
0x3: {  	_ = 	snop  }
0x4: {  	_ = 	snop  }
0x5: {  	_ = 	snop  }
0x6: {  	_ = 	snop  }
0x7: {  	_ = 	snop  }
__scs_overlays_trampoline_lowered:
0x8: {  	[smem:$0x3FAE] =	sst s0  }
0x9: {  	[smem:$0x3FAF] =	sst s1  }
0xa: {  	[smem:$0x3FB0] =	sst s2  }
0xb: {  	[smem:$0x3FB1] =	sst s3  }
0xc: {  	[smem:$0x3FB2] =	sst s4  }
0xd: {  	[smem:$0x3FB3] =	sst s5  }
0xe: {  	[smem:$0x3FB4] =	sst s6  }
0xf: {  	[smem:$0x3FB5] =	sst s7  }
0x10: {  	[smem:$0x3FB6] =	sst s8  }
0x11: {  	[smem:$0x3FB7] =	sst s9;
	s0 =	simm.s32 @!p0 $0x0  }
0x12: {  	s1 =	sld [smem:$0x3F9D];
	s0 =	simm.s32 @p0 $0x1  }
0x13: {  	[smem:$0x3FB8] =	sst s0;
	s0 =	simm.s32 @!p1 $0x0  }
0x14: {  	s2 =	sld [smem:$0x3F9C];
	s0 =	simm.s32 @p1 $0x1  }
0x15: {  	[smem:$0x3FB9] =	sst s0;
	s0 =	simm.s32 @!p2 $0x0  }
0x16: {  	s3 =	sld [smem:$0x3FDB];
	s0 =	simm.s32 @p2 $0x1  }
0x17: {  	s4 =	simm.s32 $0x1BF5;
	[smem:$0x3FBB] =	sst s0  }
0x18: {  	s0 =	sld [smem:$0x3F9E];
	_ =	swait.ge [sflag:s4], $0x0  }
0x19: {  	s7 =	sld [smem:$0x3F9F]  }
0x1a: {  	s8 =	sadd.s32 $0xFFFFE003, lr  }
0x1b: {  	s9 =	sadd.s32 $0xFFFFFEF7, lr;
	s5 =	simm.s32 $0xFFFFFFFF;
	p2 =	slt.u32 s8, $0xFFFFF086  }
0x1c: {  	p1 =	slt.u32 s9, $0xF7A;
	s5 =	simm.s32 @!p2 $0x0  }
0x1d: {  	s5 =	simm.s32 @p1 $0x1;
	p0 =	seq.s32 s7, s2  }
0x1e: {  	s7 =	smul.u32 @!p0 $0xF7A, s2;
	p2 =	seq.s32 @!p0 s5, $0x0  }
0x1f: {  	s9 =	smul.u32 $0xF7A, s1;
	s8 =	simm.s32 @!p0 $0x1BF5;
	p2 =	por !p2, p0  }
0x20: {  	[sflag:s8] =	ssyncset.s32 @!p0 $0xFFFFF086;
	s6 =	sadd.s32 @!p0 s3, s7;
	s7 =	simm.s32 @!p0 $0x108  }
0x21: {  	s3 =	sadd.s32 s3, s9;
	s6 =	sadd.s32 @!p0 $0x88, s6;
	s7 =	simm.s32 @p2 $0x1082  }
0x22: {  	[simem:s7], [sflag:s8] =	dma.local @!p0 [hbm:s6], $0xF7A  }
0x23: {  	s9 =	sor.u32 $0xD0000000, s2;
	s6 =	simm.s32 $0x108;
	_ =	swait.ge @!p0 [sflag:s8], $0x0  }
0x24: {  	s3 =	sadd.s32 $0x88, s3;
	s6 =	simm.s32 @!p1 $0x1082;
	[sflag:s4] =	ssyncset.s32 $0xFFFFF086  }
0x25: {  	[simem:s6], [sflag:s4] =	dma.local [hbm:s3], $0xF7A  }
0x26: {  	[smem:$0x3F9F] =	sst s1;
	(tag) =	ssettag s2;
	_ =	strace s9  }
0x27: {  	s1 =	sld [smem:$0x3FAF]  }
0x28: {  	s2 =	sld [smem:$0x3FB0]  }
0x29: {  	s4 =	sld [smem:$0x3FB2]  }
0x2a: {  	p0 =	seq.s32 s5, $0x0;
	s5 =	sld [smem:$0x3FB3]  }
0x2b: {  	s6 =	sld [smem:$0x3FB4]  }
0x2c: {  	s7 =	sld [smem:$0x3FB5]  }
0x2d: {  	s3 =	simm.s32 $0x108;
	s8 =	sld [smem:$0x3FB6]  }
0x2e: {  	s3 =	simm.s32 @!p0 $0x1082;
	s9 =	sld [smem:$0x3FB7]  }
0x2f: {  	lr =	sadd.s32 s0, s3;
	s0 =	sld [smem:$0x3FAE]  }
0x30: {  	s3 =	sld [smem:$0x3FB1]  }
0x31: {  	[smem:$0x3FBA] =	sst s10  }
0x32: {  	s10 =	sld [smem:$0x3FB8];
	_ =	sdelay $0x3  }
0x33: {  	p0 =	seq.s32 s10, $0x1;
	s10 =	sld [smem:$0x3FBA];
	_ =	sdelay $0x3  }
0x34: {  	[smem:$0x3FBA] =	sst s10  }
0x35: {  	s10 =	sld [smem:$0x3FB9];
	_ =	sdelay $0x3  }
0x36: {  	p1 =	seq.s32 s10, $0x1;
	s10 =	sld [smem:$0x3FBA];
	_ =	sdelay $0x3  }
0x37: {  	[smem:$0x3FBA] =	sst s10  }
0x38: {  	s10 =	sld [smem:$0x3FBB]  }
0x39: {  	_ = 	snop;
	(pc) =	sbr.ind lr, $3  }
0x3a: {  	_ = 	snop  }
0x3b: {  	_ = 	snop  }
0x3c: {  	p2 =	seq.s32 s10, $0x1;
	s10 =	sld [smem:$0x3FBA]  }
0x3d: {  	_ =	shalt  }
0x3e: {  	_ =	shalt  }
0x3f: {  	_ =	shalt  }
0x40: {  	_ =	shalt  }
0x41: {  	_ =	shalt  }
0x42: {  	_ =	shalt  }
0x43: {  	_ =	shalt  }
0x44: {  	_ =	shalt  }
0x45: {  	_ =	shalt  }
0x46: {  	_ =	shalt  }
0x47: {  	_ =	shalt  }
0x48: {  	_ =	shalt  }
0x49: {  	_ =	shalt  }
0x4a: {  	_ =	shalt  }
0x4b: {  	_ =	shalt  }
0x4c: {  	_ =	shalt  }
0x4d: {  	_ =	shalt  }
0x4e: {  	_ =	shalt  }
0x4f: {  	_ =	shalt  }
0x50: {  	_ =	shalt  }
0x51: {  	_ =	shalt  }
0x52: {  	_ =	shalt  }
0x53: {  	_ =	shalt  }
0x54: {  	_ =	shalt  }
0x55: {  	_ =	shalt  }
0x56: {  	_ =	shalt  }
0x57: {  	_ =	shalt  }
0x58: {  	_ =	shalt  }
0x59: {  	_ =	shalt  }
0x5a: {  	_ =	shalt  }
0x5b: {  	_ =	shalt  }
0x5c: {  	_ =	shalt  }
0x5d: {  	_ =	shalt  }
0x5e: {  	_ =	shalt  }
0x5f: {  	_ =	shalt  }
0x60: {  	_ =	shalt  }
0x61: {  	_ =	shalt  }
0x62: {  	_ =	shalt  }
0x63: {  	_ =	shalt  }
0x64: {  	_ =	shalt  }
0x65: {  	_ =	shalt  }
0x66: {  	_ =	shalt  }
0x67: {  	_ =	shalt  }
0x68: {  	_ =	shalt  }
0x69: {  	_ =	shalt  }
0x6a: {  	_ =	shalt  }
0x6b: {  	_ =	shalt  }
0x6c: {  	_ =	shalt  }
0x6d: {  	_ =	shalt  }
0x6e: {  	_ =	shalt  }
0x6f: {  	_ =	shalt  }
0x70: {  	_ =	shalt  }
0x71: {  	_ =	shalt  }
0x72: {  	_ =	shalt  }
0x73: {  	_ =	shalt  }
0x74: {  	_ =	shalt  }
0x75: {  	_ =	shalt  }
0x76: {  	_ =	shalt  }
0x77: {  	_ =	shalt  }
0x78: {  	_ =	shalt  }
0x79: {  	_ =	shalt  }
0x7a: {  	_ =	shalt  }
0x7b: {  	_ =	shalt  }
0x7c: {  	_ =	shalt  }
0x7d: {  	_ =	shalt  }
0x7e: {  	_ =	shalt  }
0x7f: {  	_ =	shalt  }
0x80: {  	_ =	shalt  }
0x81: {  	_ =	shalt  }
0x82: {  	_ =	shalt  }
0x83: {  	_ =	shalt  }
0x84: {  	_ =	shalt  }
0x85: {  	_ =	shalt  }
0x86: {  	_ =	shalt  }
0x87: {  	_ =	shalt  }
.Lfunc_end0:
.L_simem_size_0:
called_computation_lowered:
.L_overlay_start_0:
0x88: {  	s2 =	sld [smem:$0x3FD9]  }
0x89: {  	s3 =	sld [smem:$0x3FFE];
	_ =	sdelay $0x1  }
0x8a: {  	s1 =	srdreg.scid  }
0x8b: {  	s0 =	sand.u32 $0x1, s1  }
0x8c: {  	s18 =	sshll.u32 s0, $0xA;
	s2 =	sadd.s32 s3, s2  }
0x8d: {  	s2 =	sadd.s32 s2, s18  }
0x8e: {  	[smem:$0x3FC6] =	sst s2  }
0x8f: {  	_ = 	snop  }
0x90: {  	s2 =	sld [smem:$0x3FC9]  }
0x91: {  	s19 =	sld [smem:$0x3FC8]  }
0x92: {  	s4 =	sld [smem:$0x3FD0];
	(tm) =	ssettm $0x1  }
0x93: {  	s5 =	sld [smem:$0x3FFB];
	_ =	sdelay $0x3  }
0x94: {  	_ =	strace s5  }
0x95: {  	s5 =	sld [smem:$0x3FFC];
	_ =	sdelay $0x3  }
0x96: {  	_ =	strace s5  }
0x97: {  	s5 =	sld [smem:$0x3FFD];
	_ =	sdelay $0x3  }
0x98: {  	_ =	strace s5  }
0x99: {  	_ =	strace $0x8FFFFFFF  }
0x9a: {  	s20 =	sld [smem:$0x3FDB];
	_ =	sdelay $0x1  }
0x9b: {  	s6 =	simm.s32 $_scs_section_size  }
0x9c: {  	s7 =	simm.s32 $_size__tile_overlayer_lowered;
	s8 =	simm.s32 $_tile_overlayer_lowered  }
0x9d: {  	s23 =	simm.s32 $0x1BFF;
	s22 =	sshll.u32 s8, $0x1;
	s5 =	sadd.s32 s6, s20  }
0x9e: {  	s9 =	simm.s32 $0x0;
	s21 =	sshll.u32 s7, $0x1;
	s7 =	sadd.s32 s22, s5  }
0x9f: {  	[timem:s9], [sflag:s23] =	dma.local [hbm:s7], s21  }
0xa0: {  	_ =	swait.ge [sflag:s23], s21  }
0xa1: {  	s6 =	ssub.s32 $0x0, s21;
	[sflag:s23] =	ssyncset.done $0x0  }
0xa2: {  	[sflag:s23] =	ssyncadd.s32 s6;
	_ =	sdelay $0x1  }
0xa3: {  	s24 =	simm.s32 $0x1B8B  }
0xa4: {  	_ =	swait.ge [sflag:s24], $0x1  }
0xa5: {  	[sflag:s24] =	ssyncset.done $0x0  }
0xa6: {  	s25 =	simm.s32 $0x1B8E;
	[sflag:s24] =	ssyncadd.s32 $0xFFFFFFFF  }
0xa7: {  	s26 =	simm.s32 $execute0_lowered;
	[smem:$0x3FD2] =	sst s25  }
0xa8: {  	s6 =	sshll.u32 s26, $0x1;
	_ =	strace $0x80000046;
	[dreg:$0x1] =	wrdreg $0xFFFFFFFF  }
0xa9: {  	s28 =	simm.s32 $_size_execute0_lowered;
	s5 =	sadd.s32 s5, s6;
	[dreg:$0x0] =	wrdreg $0x0  }
0xaa: {  	s6 =	sshll.u32 s28, $0x1;
	[dreg:$0x2] =	wrdreg s5  }
0xab: {  	[dreg:$0x3] =	wrdreg s6  }
0xac: {  	[dreg:$0x4] =	wrdreg $0xC0  }
0xad: {  	_ =	task [dreg:s9], $0x5FFFF  }
0xae: {  	[dreg:$0x1] =	wrdreg $0xFFFFFFFF  }
0xaf: {  	[dreg:$0x0] =	wrdreg $0x60  }
0xb0: {  	[dreg:$0x2] =	wrdreg s19  }
0xb1: {  	[dreg:$0x3] =	wrdreg s2  }
0xb2: {  	[dreg:$0x4] =	wrdreg s4  }
0xb3: {  	[dreg:$0x5] =	wrdreg $0x2000  }
0xb4: {  	[dreg:$0x6] =	wrdreg $0x9  }
0xb5: {  	_ =	task.clear_ibuf [dreg:s9], $0x7FFFF;
	_ =	strace $0x90000046  }
0xb6: {  	s29 =	simm.s32 $0x9;
	_ =	strace $0x80000048  }
0xb7: {  	_ =	swait.ge [sflag:s29], $0x1  }
0xb8: {  	[sflag:s29] =	ssyncadd.s32 $0xFFFFFFFF  }
0xb9: {  	_ =	strace $0x90000048  }
0xba: {  	_ =	sfence  }
0xbb: {  	s30 =	sld [smem:$0x0];
	_ =	sdelay $0x2  }
0xbc: {  	s31 =	sshll.u32 s1, $0xD;
	s1 =	sshrl.u32 s1, $0x2  }
0xbd: {  	s3 =	sand.u32 $0x4000, s31;
	s1 =	sadd.s32 s1, s30  }
0xbe: {  	s0 =	sor.u32 s3, s0;
	s1 =	sshll.u32 s1, $0x11  }
0xbf: {  	s0 =	sor.u32 s1, s0  }
0xc0: {  	s0 =	sadd.s32 $0x8F2B, s0  }
0xc1: {  	[sflag:s0] =	ssyncadd.remote.s32 $0x1  }
0xc2: {  	_ =	sfence.sel $0xFFFF  }
0xc3: {  	[dreg:$0x0] =	wrdreg $0xFFFFFFFF;
	(pc) =	sbr.abs _section_cstart, $3  }
0xc4: {  	[dreg:$0x1] =	wrdreg $0xFFFFFFFF  }
0xc5: {  	_ =	task.clear_ibuf [dreg:s9], $0x2FFFF;
	_ =	strace $0x9FFFFFFF  }
0xc6: {  	(tm) =	ssettm $0x7FFFFFFF  }
0xc7: {  	_ =	shalt  }
tec
execute0_lowered:
.L_overlay_start_1:
0x0: {  	(tag) =	ssettag $0x1  }
0x1: {  	s0 =	rddreg [dreg:$0x0]  }
0x2: {  	s3 =	rddreg [dreg:$0x1]  }
0x3: {  	s6 =	srdreg.scid;
	s30 =	rddreg [dreg:$0x2]  }
0x4: {  	s7 =	stileid.u32;
	s2 =	simm.s32 $0x0;
	s11 =	sand.u32 $0x1, s6  }
0x5: {  	[dreg:$0x5] =	wrdreg s0;
	s8 =	sshll.u32 s7, $0xA;
	s4 =	sshll.u32 s11, $0x9  }
0x6: {  	[smem:$0x7FF] =	sst s2;
	s4 =	sor.u32 s4, s8  }
0x7: {  	s1 =	rddreg [dreg:$0x3];
	_ =	strace $0x80000047;
	s0 =	sshrl.u32 s4, $0x3  }
0x8: {  	s23 =	sor.u32 $0x40, s4;
	s24 =	sor.u32 $0x80, s4;
	s25 =	sor.u32 $0xC0, s4  }
0x9: {  	s26 =	sor.u32 $0x100, s4;
	s28 =	sor.u32 $0x140, s4;
	s29 =	sor.u32 $0x180, s4  }
0xa: {  	s31 =	sor.u32 $0x1C0, s4;
	s4 =	sshll.u32 s4, $0x4;
	s0 =	sadd.s32 s3, s0  }
0xb: {  	s5 =	sshrl.u32 s23, $0x3;
	s20 =	sadd.s32 s30, s4;
	[dreg:$0x6] =	wrdreg s0  }
0xc: {  	s10 =	sshrl.u32 s24, $0x3;
	s9 =	sadd.s32 s3, s5;
	[dreg:$0xe] =	wrdreg s20  }
0xd: {  	s12 =	sshrl.u32 s25, $0x3;
	s0 =	sadd.s32 s3, s10;
	[dreg:$0x7] =	wrdreg s9  }
0xe: {  	s14 =	sshrl.u32 s26, $0x3;
	s13 =	sadd.s32 s3, s12;
	[dreg:$0x8] =	wrdreg s0  }
0xf: {  	s16 =	sshrl.u32 s28, $0x3;
	s15 =	sadd.s32 s3, s14;
	[dreg:$0x9] =	wrdreg s13  }
0x10: {  	s6 =	sshrl.u32 s29, $0x3;
	s17 =	sadd.s32 s3, s16;
	[dreg:$0xa] =	wrdreg s15  }
0x11: {  	s19 =	sshrl.u32 s31, $0x3;
	s18 =	sadd.s32 s3, s6;
	[dreg:$0xb] =	wrdreg s17  }
0x12: {  	s3 =	sadd.s32 s3, s19;
	[dreg:$0xc] =	wrdreg s18  }
0x13: {  	[dreg:$0xd] =	wrdreg s3  }
0x14: {  	s21 =	rddreg [dreg:$0x6]  }
0x15: {  	s13 =	rddreg [dreg:$0x5]  }
0x16: {  	s22 =	rddreg [dreg:$0x7]  }
0x17: {  	[tilespmem:s2], [sflag:$0x2] =	stream.linear.gather [hbm4b:s21+s2], $0x40, $0x38;
	[tilespmem:$0x10250] =	vst v63  }
0x18: {  	s3 =	simm.s32 $0x40;
	s0 =	rddreg [dreg:$0x8]  }
0x19: {  	[tilespmem:s3], [sflag:$0x2] =	stream.linear.gather [hbm4b:s22+s2], $0x40, $0x38;
	[tilespmem:$0x10250] =	vst v63  }
0x1a: {  	s4 =	simm.s32 $0x80;
	s17 =	rddreg [dreg:$0x9]  }
0x1b: {  	[tilespmem:s4], [sflag:$0x2] =	stream.linear.gather [hbm4b:s0+s2], $0x40, $0x38;
	[tilespmem:$0x10250] =	vst v63  }
0x1c: {  	s18 =	simm.s32 $0xC0;
	s8 =	rddreg [dreg:$0xa]  }
0x1d: {  	[tilespmem:s18], [sflag:$0x2] =	stream.linear.gather [hbm4b:s17+s2], $0x40, $0x38;
	[tilespmem:$0x10250] =	vst v63  }
0x1e: {  	s19 =	simm.s32 $0x100;
	s9 =	rddreg [dreg:$0xb]  }
0x1f: {  	[tilespmem:s19], [sflag:$0x2] =	stream.linear.gather [hbm4b:s8+s2], $0x40, $0x38;
	[tilespmem:$0x10250] =	vst v63  }
0x20: {  	p0 =	sne.s32 s7, $0x0;
	s20 =	simm.s32 $0x140;
	s10 =	rddreg [dreg:$0xc]  }
0x21: {  	[tilespmem:s20], [sflag:$0x2] =	stream.linear.gather [hbm4b:s9+s2], $0x40, $0x38;
	[tilespmem:$0x10250] =	vst v63  }
0x22: {  	s12 =	simm.s32 @!p0 $0x3;
	s21 =	simm.s32 $0x180;
	s14 =	rddreg [dreg:$0xd]  }
0x23: {  	[tilespmem:s21], [sflag:$0x2] =	stream.linear.gather [hbm4b:s10+s2], $0x40, $0x38;
	[tilespmem:$0x10250] =	vst v63  }
0x24: {  	s22 =	simm.s32 $0x1C0;
	s9 =	simm.s32 @!p0 $0x1C03;
	s10 =	sshrl.u32 @!p0 s1, $0x3  }
0x25: {  	[tilespmem:s22], [sflag:$0x2] =	stream.linear.gather [hbm4b:s14+s2], $0x40, $0x38;
	[tilespmem:$0x10250] =	vst v63  }
0x26: {  	[spmem:s10], [sflag:s9] =	dma.local @!p0 [hbm:s13], $0xA0  }
0x27: {  	_ =	swait.ge @!p0 [sflag:s12], $0xA0  }
0x28: {  	[sflag:s12] =	ssyncset.done @!p0 $0x0  }
0x29: {  	[sflag:s12] =	ssyncadd.s32 @!p0 $0xFFFFFF60  }
0x2a: {  	s13 =	simm.s32 $0x2;
	[bflag:$0x0] =	sbarrier.arrive $0xFFFF  }
0x2b: {  	_ =	swait.ge [sflag:s13], $0x40  }
0x2c: {  	[sflag:s13] =	ssyncset.done $0x0  }
0x2d: {  	s14 =	simm.s32 $0x250;
	[sflag:s13] =	ssyncadd.s32 $0xFFFFFFC0  }
0x2e: {  	[tilespmem:s14], [sflag:$0x1] =	stream.indirect.gather [spmem:s1], $0x80, s2, s3, $0xb8;
	[tilespmem:$0x10250] =	vst v63  }
0x2f: {  	_ =	swait.ge [sflag:s13], $0x40  }
0x30: {  	[sflag:s13] =	ssyncset.done $0x0  }
0x31: {  	s15 =	simm.s32 $0x2250;
	[sflag:s13] =	ssyncadd.s32 $0xFFFFFFC0  }
0x32: {  	[tilespmem:s15], [sflag:$0x1] =	stream.indirect.gather [spmem:s1], $0x80, s3, s3, $0xb8;
	[tilespmem:$0x10250] =	vst v63  }
0x33: {  	_ =	swait.ge [sflag:s13], $0x40  }
0x34: {  	[sflag:s13] =	ssyncset.done $0x0  }
0x35: {  	s16 =	simm.s32 $0x4250;
	[sflag:s13] =	ssyncadd.s32 $0xFFFFFFC0  }
0x36: {  	[tilespmem:s16], [sflag:$0x1] =	stream.indirect.gather [spmem:s1], $0x80, s4, s3, $0xb8;
	[tilespmem:$0x10250] =	vst v63  }
0x37: {  	_ =	swait.ge [sflag:s13], $0x40  }
0x38: {  	[sflag:s13] =	ssyncset.done $0x0  }
0x39: {  	s17 =	simm.s32 $0x6250;
	[sflag:s13] =	ssyncadd.s32 $0xFFFFFFC0  }
0x3a: {  	[tilespmem:s17], [sflag:$0x1] =	stream.indirect.gather [spmem:s1], $0x80, s18, s3, $0xb8;
	[tilespmem:$0x10250] =	vst v63  }
0x3b: {  	_ =	swait.ge [sflag:s13], $0x40  }
0x3c: {  	[sflag:s13] =	ssyncset.done $0x0  }
0x3d: {  	s18 =	simm.s32 $0x8250;
	[sflag:s13] =	ssyncadd.s32 $0xFFFFFFC0  }
0x3e: {  	[tilespmem:s18], [sflag:$0x1] =	stream.indirect.gather [spmem:s1], $0x80, s19, s3, $0xb8;
	[tilespmem:$0x10250] =	vst v63  }
0x3f: {  	_ =	swait.ge [sflag:s13], $0x40  }
0x40: {  	[sflag:s13] =	ssyncset.done $0x0  }
0x41: {  	s19 =	simm.s32 $0xA250;
	[sflag:s13] =	ssyncadd.s32 $0xFFFFFFC0  }
0x42: {  	[tilespmem:s19], [sflag:$0x1] =	stream.indirect.gather [spmem:s1], $0x80, s20, s3, $0xb8;
	[tilespmem:$0x10250] =	vst v63  }
0x43: {  	_ =	swait.ge [sflag:s13], $0x40  }
0x44: {  	[sflag:s13] =	ssyncset.done $0x0  }
0x45: {  	s20 =	simm.s32 $0xC250;
	[sflag:s13] =	ssyncadd.s32 $0xFFFFFFC0  }
0x46: {  	[tilespmem:s20], [sflag:$0x1] =	stream.indirect.gather [spmem:s1], $0x80, s21, s3, $0xb8;
	[tilespmem:$0x10250] =	vst v63  }
0x47: {  	_ =	swait.ge [sflag:s13], $0x40  }
0x48: {  	[sflag:s13] =	ssyncset.done $0x0  }
0x49: {  	s21 =	simm.s32 $0xE250;
	[sflag:s13] =	ssyncadd.s32 $0xFFFFFFC0  }
0x4a: {  	[tilespmem:s21], [sflag:$0x1] =	stream.indirect.gather [spmem:s1], $0x80, s22, s3, $0xb8;
	[tilespmem:$0x10250] =	vst v63  }
0x4b: {  	s22 =	simm.s32 $0x1  }
0x4c: {  	_ =	swait.ge [sflag:s22], $0x2000  }
0x4d: {  	[sflag:s22] =	ssyncset.done $0x0  }
0x4e: {  	s9 =	rddreg [dreg:$0xe];
	[sflag:s22] =	ssyncadd.s32 $0xFFFFE000  }
0x4f: {  	[hbm4b:s9+s2] =	stream.linear.scatter [tilespmem:s14], [sflag:$0x2], $0x2000, $0x38;
	[tilespmem:$0x10250] =	vst v63  }
0x50: {  	_ =	swait.ge [sflag:s22], $0x2000  }
0x51: {  	s23 =	sshll.u32 s23, $0x4;
	[sflag:s22] =	ssyncset.done $0x0  }
0x52: {  	s23 =	sadd.s32 s30, s23;
	[sflag:s22] =	ssyncadd.s32 $0xFFFFE000  }
0x53: {  	[hbm4b:s23+s2] =	stream.linear.scatter [tilespmem:s15], [sflag:$0x2], $0x2000, $0x38;
	[tilespmem:$0x10250] =	vst v63  }
0x54: {  	_ =	swait.ge [sflag:s22], $0x2000  }
0x55: {  	s4 =	sshll.u32 s24, $0x4;
	[sflag:s22] =	ssyncset.done $0x0  }
0x56: {  	s24 =	sadd.s32 s30, s4;
	[sflag:s22] =	ssyncadd.s32 $0xFFFFE000  }
0x57: {  	[hbm4b:s24+s2] =	stream.linear.scatter [tilespmem:s16], [sflag:$0x2], $0x2000, $0x38;
	[tilespmem:$0x10250] =	vst v63  }
0x58: {  	_ =	swait.ge [sflag:s22], $0x2000  }
0x59: {  	s5 =	sshll.u32 s25, $0x4;
	[sflag:s22] =	ssyncset.done $0x0  }
0x5a: {  	s25 =	sadd.s32 s30, s5;
	[sflag:s22] =	ssyncadd.s32 $0xFFFFE000  }
0x5b: {  	[hbm4b:s25+s2] =	stream.linear.scatter [tilespmem:s17], [sflag:$0x2], $0x2000, $0x38;
	[tilespmem:$0x10250] =	vst v63  }
0x5c: {  	_ =	swait.ge [sflag:s22], $0x2000  }
0x5d: {  	s6 =	sshll.u32 s26, $0x4;
	[sflag:s22] =	ssyncset.done $0x0  }
0x5e: {  	s26 =	sadd.s32 s30, s6;
	[sflag:s22] =	ssyncadd.s32 $0xFFFFE000  }
0x5f: {  	[hbm4b:s26+s2] =	stream.linear.scatter [tilespmem:s18], [sflag:$0x2], $0x2000, $0x38;
	[tilespmem:$0x10250] =	vst v63  }
0x60: {  	_ =	swait.ge [sflag:s22], $0x2000  }
0x61: {  	s7 =	sshll.u32 s28, $0x4;
	[sflag:s22] =	ssyncset.done $0x0  }
0x62: {  	s28 =	sadd.s32 s30, s7;
	[sflag:s22] =	ssyncadd.s32 $0xFFFFE000  }
0x63: {  	[hbm4b:s28+s2] =	stream.linear.scatter [tilespmem:s19], [sflag:$0x2], $0x2000, $0x38;
	[tilespmem:$0x10250] =	vst v63  }
0x64: {  	_ =	swait.ge [sflag:s22], $0x2000  }
0x65: {  	s8 =	sshll.u32 s29, $0x4;
	[sflag:s22] =	ssyncset.done $0x0  }
0x66: {  	s29 =	sadd.s32 s30, s8;
	[sflag:s22] =	ssyncadd.s32 $0xFFFFE000  }
0x67: {  	[hbm4b:s29+s2] =	stream.linear.scatter [tilespmem:s20], [sflag:$0x2], $0x2000, $0x38;
	[tilespmem:$0x10250] =	vst v63  }
0x68: {  	_ =	swait.ge [sflag:s22], $0x2000  }
0x69: {  	s9 =	sshll.u32 s31, $0x4;
	[sflag:s22] =	ssyncset.done $0x0  }
0x6a: {  	s30 =	sadd.s32 s30, s9;
	[sflag:s22] =	ssyncadd.s32 $0xFFFFE000  }
0x6b: {  	[hbm4b:s30+s2] =	stream.linear.scatter [tilespmem:s21], [sflag:$0x2], $0x2000, $0x38;
	[tilespmem:$0x10250] =	vst v63  }
0x6c: {  	_ =	swait.ge [sflag:s13], $0x2000  }
0x6d: {  	[sflag:s13] =	ssyncset.done $0x0  }
0x6e: {  	[sflag:s13] =	ssyncadd.s32 $0xFFFFE000  }
0x6f: {  	_ =	swait.ge [sflag:s13], $0x2000  }
0x70: {  	[sflag:s13] =	ssyncset.done $0x0  }
0x71: {  	[sflag:s13] =	ssyncadd.s32 $0xFFFFE000  }
0x72: {  	_ =	swait.ge [sflag:s13], $0x2000  }
0x73: {  	[sflag:s13] =	ssyncset.done $0x0  }
0x74: {  	[sflag:s13] =	ssyncadd.s32 $0xFFFFE000  }
0x75: {  	_ =	swait.ge [sflag:s13], $0x2000  }
0x76: {  	[sflag:s13] =	ssyncset.done $0x0  }
0x77: {  	s11 =	ssub.s32 $0x2, s11;
	[sflag:s13] =	ssyncadd.s32 $0xFFFFE000  }
0x78: {  	s31 =	sshrl.u32 s11, $0x1;
	_ =	swait.ge [sflag:s13], $0x2000  }
0x79: {  	s0 =	ssub.s32 s11, s31;
	[sflag:s13] =	ssyncset.done $0x0  }
0x7a: {  	s0 =	smax.u32 s0, $0x1;
	[sflag:s13] =	ssyncadd.s32 $0xFFFFE000  }
0x7b: {  	s31 =	sadd.s32 $0xFFFFFFFF, s0;
	_ =	swait.ge [sflag:s13], $0x2000  }
0x7c: {  	p1 =	sne.s32 s31, $0x0;
	[sflag:s13] =	ssyncset.done $0x0  }
.Ltmp0:
0x7d: {  	[sflag:s13] =	ssyncadd.s32 $0xFFFFE000;
	(pc) =	sbr.rel @!p1 .LBB2_3-.Ltmp0, $4  }
0x7e: {  	_ =	swait.ge [sflag:s13], $0x2000  }
0x7f: {  	[sflag:s13] =	ssyncset.done $0x0  }
0x80: {  	[sflag:s13] =	ssyncadd.s32 $0xFFFFE000  }
0x81: {  	_ =	swait.ge [sflag:s13], $0x2000  }
0x82: {  	s5 =	simm.s32 $0x80;
	s6 =	simm.s32 $0xC0  }
0x83: {  	s7 =	simm.s32 $0x100;
	s8 =	simm.s32 $0x140;
	s9 =	simm.s32 $0x180  }
.LBB2_2:
0x84: {  	[sflag:s13] =	ssyncset.done $0x0  }
0x85: {  	s0 =	rddreg [dreg:$0x6];
	[sflag:s13] =	ssyncadd.s32 $0xFFFFE000  }
0x86: {  	[tilespmem:s2], [sflag:$0x2] =	stream.linear.gather [hbm4b:s0+s2], $0x40, $0x38;
	[tilespmem:$0x10250] =	vst v63  }
0x87: {  	s4 =	rddreg [dreg:$0x7]  }
0x88: {  	[tilespmem:s3], [sflag:$0x2] =	stream.linear.gather [hbm4b:s4+s2], $0x40, $0x38;
	[tilespmem:$0x10250] =	vst v63  }
0x89: {  	s0 =	rddreg [dreg:$0x8]  }
0x8a: {  	[tilespmem:s5], [sflag:$0x2] =	stream.linear.gather [hbm4b:s0+s2], $0x40, $0x38;
	[tilespmem:$0x10250] =	vst v63  }
0x8b: {  	s4 =	rddreg [dreg:$0x9]  }
0x8c: {  	[tilespmem:s6], [sflag:$0x2] =	stream.linear.gather [hbm4b:s4+s2], $0x40, $0x38;
	[tilespmem:$0x10250] =	vst v63  }
0x8d: {  	s0 =	rddreg [dreg:$0xa]  }
0x8e: {  	[tilespmem:s7], [sflag:$0x2] =	stream.linear.gather [hbm4b:s0+s2], $0x40, $0x38;
	[tilespmem:$0x10250] =	vst v63  }
0x8f: {  	s4 =	rddreg [dreg:$0xb]  }
0x90: {  	[tilespmem:s8], [sflag:$0x2] =	stream.linear.gather [hbm4b:s4+s2], $0x40, $0x38;
	[tilespmem:$0x10250] =	vst v63  }
0x91: {  	s0 =	rddreg [dreg:$0xc]  }
0x92: {  	[tilespmem:s9], [sflag:$0x2] =	stream.linear.gather [hbm4b:s0+s2], $0x40, $0x38;
	[tilespmem:$0x10250] =	vst v63  }
0x93: {  	s4 =	rddreg [dreg:$0xd];
	s0 =	simm.s32 $0x1C0  }
0x94: {  	[tilespmem:s0], [sflag:$0x2] =	stream.linear.gather [hbm4b:s4+s2], $0x40, $0x38;
	[tilespmem:$0x10250] =	vst v63  }
0x95: {  	s11 =	rddreg [dreg:$0x5];
	s4 =	simm.s32 @!p0 $0x1C03  }
0x96: {  	[spmem:s10], [sflag:s4] =	dma.local @!p0 [hbm:s11], $0xA0  }
0x97: {  	_ =	swait.ge @!p0 [sflag:s12], $0xA0  }
0x98: {  	[sflag:s12] =	ssyncset.done @!p0 $0x0  }
0x99: {  	[sflag:s12] =	ssyncadd.s32 @!p0 $0xFFFFFF60  }
0x9a: {  	[bflag:$0x0] =	sbarrier.arrive $0xFFFF  }
0x9b: {  	_ =	swait.ge [sflag:s13], $0x40  }
0x9c: {  	[sflag:s13] =	ssyncset.done $0x0  }
0x9d: {  	[sflag:s13] =	ssyncadd.s32 $0xFFFFFFC0  }
0x9e: {  	[tilespmem:s14], [sflag:$0x1] =	stream.indirect.gather [spmem:s1], $0x80, s2, s3, $0xb8;
	[tilespmem:$0x10250] =	vst v63  }
0x9f: {  	_ =	swait.ge [sflag:s13], $0x40  }
0xa0: {  	[sflag:s13] =	ssyncset.done $0x0  }
0xa1: {  	[sflag:s13] =	ssyncadd.s32 $0xFFFFFFC0  }
0xa2: {  	[tilespmem:s15], [sflag:$0x1] =	stream.indirect.gather [spmem:s1], $0x80, s3, s3, $0xb8;
	[tilespmem:$0x10250] =	vst v63  }
0xa3: {  	_ =	swait.ge [sflag:s13], $0x40  }
0xa4: {  	[sflag:s13] =	ssyncset.done $0x0  }
0xa5: {  	[sflag:s13] =	ssyncadd.s32 $0xFFFFFFC0  }
0xa6: {  	[tilespmem:s16], [sflag:$0x1] =	stream.indirect.gather [spmem:s1], $0x80, s5, s3, $0xb8;
	[tilespmem:$0x10250] =	vst v63  }
0xa7: {  	_ =	swait.ge [sflag:s13], $0x40  }
0xa8: {  	[sflag:s13] =	ssyncset.done $0x0  }
0xa9: {  	[sflag:s13] =	ssyncadd.s32 $0xFFFFFFC0  }
0xaa: {  	[tilespmem:s17], [sflag:$0x1] =	stream.indirect.gather [spmem:s1], $0x80, s6, s3, $0xb8;
	[tilespmem:$0x10250] =	vst v63  }
0xab: {  	_ =	swait.ge [sflag:s13], $0x40  }
0xac: {  	[sflag:s13] =	ssyncset.done $0x0  }
0xad: {  	[sflag:s13] =	ssyncadd.s32 $0xFFFFFFC0  }
0xae: {  	[tilespmem:s18], [sflag:$0x1] =	stream.indirect.gather [spmem:s1], $0x80, s7, s3, $0xb8;
	[tilespmem:$0x10250] =	vst v63  }
0xaf: {  	_ =	swait.ge [sflag:s13], $0x40  }
0xb0: {  	[sflag:s13] =	ssyncset.done $0x0  }
0xb1: {  	[sflag:s13] =	ssyncadd.s32 $0xFFFFFFC0  }
0xb2: {  	[tilespmem:s19], [sflag:$0x1] =	stream.indirect.gather [spmem:s1], $0x80, s8, s3, $0xb8;
	[tilespmem:$0x10250] =	vst v63  }
0xb3: {  	_ =	swait.ge [sflag:s13], $0x40  }
0xb4: {  	[sflag:s13] =	ssyncset.done $0x0  }
0xb5: {  	[sflag:s13] =	ssyncadd.s32 $0xFFFFFFC0  }
0xb6: {  	[tilespmem:s20], [sflag:$0x1] =	stream.indirect.gather [spmem:s1], $0x80, s9, s3, $0xb8;
	[tilespmem:$0x10250] =	vst v63  }
0xb7: {  	_ =	swait.ge [sflag:s13], $0x40  }
0xb8: {  	[sflag:s13] =	ssyncset.done $0x0  }
0xb9: {  	[sflag:s13] =	ssyncadd.s32 $0xFFFFFFC0  }
0xba: {  	[tilespmem:s21], [sflag:$0x1] =	stream.indirect.gather [spmem:s1], $0x80, s0, s3, $0xb8;
	[tilespmem:$0x10250] =	vst v63  }
0xbb: {  	_ =	swait.ge [sflag:s22], $0x2000  }
0xbc: {  	[sflag:s22] =	ssyncset.done $0x0  }
0xbd: {  	s11 =	rddreg [dreg:$0xe];
	[sflag:s22] =	ssyncadd.s32 $0xFFFFE000  }
0xbe: {  	[hbm4b:s11+s2] =	stream.linear.scatter [tilespmem:s14], [sflag:$0x2], $0x2000, $0x38;
	[tilespmem:$0x10250] =	vst v63  }
0xbf: {  	_ =	swait.ge [sflag:s22], $0x2000  }
0xc0: {  	[sflag:s22] =	ssyncset.done $0x0  }
0xc1: {  	[sflag:s22] =	ssyncadd.s32 $0xFFFFE000  }
0xc2: {  	[hbm4b:s23+s2] =	stream.linear.scatter [tilespmem:s15], [sflag:$0x2], $0x2000, $0x38;
	[tilespmem:$0x10250] =	vst v63  }
0xc3: {  	_ =	swait.ge [sflag:s22], $0x2000  }
0xc4: {  	[sflag:s22] =	ssyncset.done $0x0  }
0xc5: {  	[sflag:s22] =	ssyncadd.s32 $0xFFFFE000  }
0xc6: {  	[hbm4b:s24+s2] =	stream.linear.scatter [tilespmem:s16], [sflag:$0x2], $0x2000, $0x38;
	[tilespmem:$0x10250] =	vst v63  }
0xc7: {  	_ =	swait.ge [sflag:s22], $0x2000  }
0xc8: {  	[sflag:s22] =	ssyncset.done $0x0  }
0xc9: {  	[sflag:s22] =	ssyncadd.s32 $0xFFFFE000  }
0xca: {  	[hbm4b:s25+s2] =	stream.linear.scatter [tilespmem:s17], [sflag:$0x2], $0x2000, $0x38;
	[tilespmem:$0x10250] =	vst v63  }
0xcb: {  	_ =	swait.ge [sflag:s22], $0x2000  }
0xcc: {  	[sflag:s22] =	ssyncset.done $0x0  }
0xcd: {  	[sflag:s22] =	ssyncadd.s32 $0xFFFFE000  }
0xce: {  	[hbm4b:s26+s2] =	stream.linear.scatter [tilespmem:s18], [sflag:$0x2], $0x2000, $0x38;
	[tilespmem:$0x10250] =	vst v63  }
0xcf: {  	_ =	swait.ge [sflag:s22], $0x2000  }
0xd0: {  	[sflag:s22] =	ssyncset.done $0x0  }
0xd1: {  	[sflag:s22] =	ssyncadd.s32 $0xFFFFE000  }
0xd2: {  	[hbm4b:s28+s2] =	stream.linear.scatter [tilespmem:s19], [sflag:$0x2], $0x2000, $0x38;
	[tilespmem:$0x10250] =	vst v63  }
0xd3: {  	_ =	swait.ge [sflag:s22], $0x2000  }
0xd4: {  	[sflag:s22] =	ssyncset.done $0x0  }
0xd5: {  	[sflag:s22] =	ssyncadd.s32 $0xFFFFE000  }
0xd6: {  	[hbm4b:s29+s2] =	stream.linear.scatter [tilespmem:s20], [sflag:$0x2], $0x2000, $0x38;
	[tilespmem:$0x10250] =	vst v63  }
0xd7: {  	_ =	swait.ge [sflag:s22], $0x2000  }
0xd8: {  	[sflag:s22] =	ssyncset.done $0x0  }
0xd9: {  	[sflag:s22] =	ssyncadd.s32 $0xFFFFE000  }
0xda: {  	[hbm4b:s30+s2] =	stream.linear.scatter [tilespmem:s21], [sflag:$0x2], $0x2000, $0x38;
	[tilespmem:$0x10250] =	vst v63  }
0xdb: {  	_ =	swait.ge [sflag:s13], $0x2000  }
0xdc: {  	[sflag:s13] =	ssyncset.done $0x0  }
0xdd: {  	[sflag:s13] =	ssyncadd.s32 $0xFFFFE000  }
0xde: {  	_ =	swait.ge [sflag:s13], $0x2000  }
0xdf: {  	[sflag:s13] =	ssyncset.done $0x0  }
0xe0: {  	[sflag:s13] =	ssyncadd.s32 $0xFFFFE000  }
0xe1: {  	_ =	swait.ge [sflag:s13], $0x2000  }
0xe2: {  	[sflag:s13] =	ssyncset.done $0x0  }
0xe3: {  	[sflag:s13] =	ssyncadd.s32 $0xFFFFE000  }
0xe4: {  	_ =	swait.ge [sflag:s13], $0x2000  }
0xe5: {  	[sflag:s13] =	ssyncset.done $0x0  }
0xe6: {  	[sflag:s13] =	ssyncadd.s32 $0xFFFFE000  }
0xe7: {  	_ =	swait.ge [sflag:s13], $0x2000  }
0xe8: {  	[sflag:s13] =	ssyncset.done $0x0  }
0xe9: {  	[sflag:s13] =	ssyncadd.s32 $0xFFFFE000  }
0xea: {  	s31 =	sadd.s32 $0xFFFFFFFF, s31;
	_ =	swait.ge [sflag:s13], $0x2000  }
0xeb: {  	p1 =	sne.s32 s31, $0x0;
	[sflag:s13] =	ssyncset.done $0x0  }
.Ltmp1:
0xec: {  	[sflag:s13] =	ssyncadd.s32 $0xFFFFE000;
	(pc) =	sbr.rel @p1 .LBB2_2-.Ltmp1, $4  }
0xed: {  	_ =	swait.ge [sflag:s13], $0x2000  }
0xee: {  	[sflag:s13] =	ssyncset.done $0x0  }
0xef: {  	[sflag:s13] =	ssyncadd.s32 $0xFFFFE000  }
0xf0: {  	_ =	swait.ge [sflag:s13], $0x2000  }
.LBB2_3:
0xf1: {  	[sflag:s13] =	ssyncset.done $0x0  }
0xf2: {  	[sflag:s13] =	ssyncadd.s32 $0xFFFFE000  }
0xf3: {  	_ =	sfence.sel $0x180000  }
0xf4: {  	[bflag:$0x0] =	sbarrier.arrive $0xFFFF  }
0xf5: {  	_ =	strace $0x90000047  }
0xf6: {  	[bflag:$0x2] =	sbarrier.arrive $0xFFFF  }
0xf7: {  	s0 =	rddreg [dreg:$0x4]  }
0xf8: {  	s0 =	sadd.s32 @!p0 $0x100000, s0  }
0xf9: {  	[sflag:s0] =	ssyncadd.tile.s32 @!p0 $0x1;
	_ =	shalt  }
.Lfunc_end2:
_tile_overlayer_lowered:
.L_overlay_start_2:
0xfa: {  	(tag) =	ssettag $0x2  }
0xfb: {  	s0 =	rddreg [dreg:$0x0];
	s2 =	stileid.u32  }
0xfc: {  	s1 =	rddreg [dreg:$0x1];
	p0 =	sne.s32 s2, $0x0  }
0xfd: {  	s3 =	rddreg [dreg:$0x2];
	[bflag:$0x3] =	sbarrier.arrive $0xFFFF;
	s2 =	simm.s32 @!p0 $0x1C03  }
0xfe: {  	[timem:s3], [sflag:s2] =	dma.local @!p0 [hbm:s0], s1  }
0xff: {  	s0 =	simm.s32 @!p0 $0x3  }
0x100: {  	_ =	swait.ge @!p0 [sflag:s0], s1  }
0x101: {  	s1 =	ssub.s32 @!p0 $0x0, s1;
	[sflag:s0] =	ssyncset.done @!p0 $0x0  }
0x102: {  	[sflag:s0] =	ssyncadd.s32 @!p0 s1  }
0x103: {  	[bflag:$0x3] =	sbarrier.arrive $0xFFFF  }
0x104: {  	_ =	shalt  }

</sc_bundles>
